<compile_context>
chip_gen: v7x
topology: tpu7x:2x2x1
jax: 0.10.2.dev20260603
libtpu: 0.0.44.dev20260713+nightly
codegen_flags: <defaults>
</compile_context>

<pallas_src>
import jax
import jax.numpy as jnp
from jax import lax
from jax.experimental import pallas as pl
from jax.experimental.pallas import tpu as pltpu
from jax.experimental.pallas import tpu_sc as plsc

N_NODES = 10000
N_EDGES = 320000
D_FEAT = 128

NC = 2
NS = 16
NW = NC * NS

N_PAD = 10240
ROWS_PER_TILE = N_PAD // NS
ZCHUNK = 128

CHUNK = 80
K_PER_TILE = N_EDGES // NW // CHUNK
EPT = K_PER_TILE * CHUNK
K_HALF = 63

_mesh = plsc.VectorSubcoreMesh(core_axis_name="c", subcore_axis_name="s")


def _fill_1d(ref, n, value):
    def body(i, _):
        ref[pl.ds(i * 16, 16)] = jnp.full((16,), value, dtype=jnp.float32)
        return ()
    lax.fori_loop(0, n // 16, body, ())


def _stage(flat_ref, base, buf):
    for m in range(CHUNK // 16):
        buf[pl.ds(16 * m, 16)] = flat_ref[pl.ds(base + 16 * m, 16)]


def _deg_body(src_hbm, dst_hbm, hsrc_hbm, hdst_hbm,
              idx_s, idx_d, st_s0, st_s1, st_s2, st_d0, st_d1, st_d2,
              ones_v, zeros_v, hs_sh, hd_sh, sem):
    cid = lax.axis_index("c")
    sid = lax.axis_index("s")
    wid = sid * NC + cid

    pltpu.sync_copy(src_hbm.at[pl.ds(wid * EPT, EPT)], idx_s)
    pltpu.sync_copy(dst_hbm.at[pl.ds(wid * EPT, EPT)], idx_d)
    _fill_1d(ones_v, CHUNK, 1.0)
    _fill_1d(zeros_v, ROWS_PER_TILE, 0.0)
    pltpu.sync_copy(zeros_v, hs_sh.at[pl.ds(sid * ROWS_PER_TILE, ROWS_PER_TILE)])
    pltpu.sync_copy(zeros_v, hd_sh.at[pl.ds(sid * ROWS_PER_TILE, ROWS_PER_TILE)])
    plsc.subcore_barrier()

    def fire(i, st_s, st_d):
        _stage(idx_s, i * CHUNK, st_s)
        _stage(idx_d, i * CHUNK, st_d)
        pltpu.async_copy(ones_v, hs_sh.at[st_s], sem, add=True)
        pltpu.async_copy(ones_v, hd_sh.at[st_d], sem, add=True)

    def drain():
        pltpu.make_async_copy(ones_v, hs_sh.at[st_s0], sem).wait()
        pltpu.make_async_copy(ones_v, hd_sh.at[st_d0], sem).wait()

    def role(i, st_s, st_d):
        @pl.when(i < K_PER_TILE)
        def _():
            fire(i, st_s, st_d)

            @pl.when(i >= 2)
            def _():
                drain()

    def body(k3, _):
        i = 3 * k3
        role(i, st_s0, st_d0)
        role(i + 1, st_s1, st_d1)
        role(i + 2, st_s2, st_d2)
        return ()

    lax.fori_loop(0, (K_PER_TILE + 2) // 3, body, ())
    drain()
    drain()
    plsc.subcore_barrier()

    sl = pl.ds(sid * ROWS_PER_TILE, ROWS_PER_TILE)
    pltpu.sync_copy(hs_sh.at[sl], hsrc_hbm.at[cid, sl])
    pltpu.sync_copy(hd_sh.at[sl], hdst_hbm.at[cid, sl])


_deg_call = pl.kernel(
    _deg_body,
    out_type=(
        jax.ShapeDtypeStruct((NC, N_PAD), jnp.float32),
        jax.ShapeDtypeStruct((NC, N_PAD), jnp.float32),
    ),
    mesh=_mesh,
    scratch_types=[
        pltpu.VMEM((EPT,), jnp.int32),
        pltpu.VMEM((EPT,), jnp.int32),
        pltpu.VMEM((CHUNK,), jnp.int32),
        pltpu.VMEM((CHUNK,), jnp.int32),
        pltpu.VMEM((CHUNK,), jnp.int32),
        pltpu.VMEM((CHUNK,), jnp.int32),
        pltpu.VMEM((CHUNK,), jnp.int32),
        pltpu.VMEM((CHUNK,), jnp.int32),
        pltpu.VMEM((CHUNK,), jnp.float32),
        pltpu.VMEM((ROWS_PER_TILE,), jnp.float32),
        pltpu.VMEM_SHARED((N_PAD,), jnp.float32),
        pltpu.VMEM_SHARED((N_PAD,), jnp.float32),
        pltpu.SemaphoreType.DMA,
    ],
)


def _main_body(src_hbm, dst_hbm, y_hbm, part_hbm,
               idx_s, idx_d, st_d0, st_d1, st_d2,
               rows0, rows1, rows2, acc_sh,
               g0, g1, g2, s0, s1, s2):
    cid = lax.axis_index("c")
    sid = lax.axis_index("s")
    wid = sid * NC + cid

    pltpu.sync_copy(src_hbm.at[pl.ds(wid * EPT, EPT)], idx_s)
    pltpu.sync_copy(dst_hbm.at[pl.ds(wid * EPT, K_HALF * CHUNK)], idx_d)

    def sidx(k):
        return idx_s.at[pl.ds(k * CHUNK, CHUNK)]

    def zrow(i, _):
        def zlane(j, _):
            rows0[i, pl.ds(j * 16, 16)] = jnp.zeros((16,), jnp.float32)
            return ()
        lax.fori_loop(0, D_FEAT // 16, zlane, ())
        return ()
    lax.fori_loop(0, CHUNK, zrow, ())

    def zacc(k, _):
        pltpu.sync_copy(
            rows0,
            acc_sh.at[pl.ds(sid * ROWS_PER_TILE + k * CHUNK, CHUNK)])
        return ()
    lax.fori_loop(0, ROWS_PER_TILE // CHUNK, zacc, ())
    plsc.subcore_barrier()

    def role(i, rows, gsem, ssem, prev_ssem, st_d, rows_nn, gsem_nn):
        @pl.when(i < K_PER_TILE)
        def _():
            @pl.when(i == K_HALF)
            def _():
                pltpu.sync_copy(
                    dst_hbm.at[pl.ds(wid * EPT + K_HALF * CHUNK,
                                     (K_PER_TILE - K_HALF) * CHUNK)],
                    idx_d.at[pl.ds(0, (K_PER_TILE - K_HALF) * CHUNK)])

            pltpu.make_async_copy(y_hbm.at[sidx(i)], rows, gsem).wait()
            base = jnp.where(i < K_HALF, i, i - K_HALF) * CHUNK
            _stage(idx_d, base, st_d)
            pltpu.async_copy(rows, acc_sh.at[st_d], ssem, add=True)

            @pl.when(i >= 1)
            def _():
                pltpu.make_async_copy(rows, acc_sh.at[st_d], prev_ssem).wait()

            @pl.when(i + 2 < K_PER_TILE)
            def _():
                pltpu.async_copy(y_hbm.at[sidx(i + 2)], rows_nn, gsem_nn)

    pltpu.async_copy(y_hbm.at[sidx(0)], rows0, g0)
    pltpu.async_copy(y_hbm.at[sidx(1)], rows1, g1)

    def body(k3, _):
        i = 3 * k3
        role(i, rows0, g0, s0, s2, st_d0, rows2, g2)
        role(i + 1, rows1, g1, s1, s0, st_d1, rows0, g0)
        role(i + 2, rows2, g2, s2, s1, st_d2, rows1, g1)
        return ()

    lax.fori_loop(0, (K_PER_TILE + 2) // 3, body, ())
    pltpu.make_async_copy(rows1, acc_sh.at[st_d1], s1).wait()
    plsc.subcore_barrier()

    def wb(k, _):
        sl = pl.ds(sid * ROWS_PER_TILE + k * ZCHUNK, ZCHUNK)
        pltpu.sync_copy(acc_sh.at[sl], part_hbm.at[cid, sl])
        return ()
    lax.fori_loop(0, ROWS_PER_TILE // ZCHUNK, wb, ())


_main_call = pl.kernel(
    _main_body,
    out_type=jax.ShapeDtypeStruct((NC, N_PAD, D_FEAT), jnp.float32),
    mesh=_mesh,
    scratch_types=[
        pltpu.VMEM((EPT,), jnp.int32),
        pltpu.VMEM((K_HALF * CHUNK,), jnp.int32),
        pltpu.VMEM((CHUNK,), jnp.int32),
        pltpu.VMEM((CHUNK,), jnp.int32),
        pltpu.VMEM((CHUNK,), jnp.int32),
        pltpu.VMEM((CHUNK, D_FEAT), jnp.float32),
        pltpu.VMEM((CHUNK, D_FEAT), jnp.float32),
        pltpu.VMEM((CHUNK, D_FEAT), jnp.float32),
        pltpu.VMEM_SHARED((N_PAD, D_FEAT), jnp.float32),
        pltpu.SemaphoreType.DMA,
        pltpu.SemaphoreType.DMA,
        pltpu.SemaphoreType.DMA,
        pltpu.SemaphoreType.DMA,
        pltpu.SemaphoreType.DMA,
        pltpu.SemaphoreType.DMA,
    ],
)


def _prescale_body(x_ref, hs_ref, y_ref):
    deg = hs_ref[0] + hs_ref[1]
    norm = jax.lax.rsqrt(jnp.clip(deg, 1.0, None))
    y_ref[...] = x_ref[...] * norm


def _final_body(part_ref, hd_ref, out_ref):
    deg = hd_ref[0] + hd_ref[1]
    norm = jax.lax.rsqrt(jnp.clip(deg, 1.0, None))
    out_ref[...] = (part_ref[0] + part_ref[1]) * norm


_BLK = 1000


def _prescale_call(x, hs3):
    return pl.pallas_call(
        _prescale_body,
        grid=(N_NODES // _BLK,),
        in_specs=[
            pl.BlockSpec((_BLK, D_FEAT), lambda i: (i, 0)),
            pl.BlockSpec((NC, _BLK, 1), lambda i: (0, i, 0)),
        ],
        out_specs=pl.BlockSpec((_BLK, D_FEAT), lambda i: (i, 0)),
        out_shape=jax.ShapeDtypeStruct((N_NODES, D_FEAT), jnp.float32),
    )(x, hs3)


def _final_call(parts, hd3):
    return pl.pallas_call(
        _final_body,
        grid=(N_NODES // _BLK,),
        in_specs=[
            pl.BlockSpec((NC, _BLK, D_FEAT), lambda i: (0, i, 0)),
            pl.BlockSpec((NC, _BLK, 1), lambda i: (0, i, 0)),
        ],
        out_specs=pl.BlockSpec((_BLK, D_FEAT), lambda i: (i, 0)),
        out_shape=jax.ShapeDtypeStruct((N_NODES, D_FEAT), jnp.float32),
    )(parts, hd3)


def kernel(x, edge_index):
    src_flat = edge_index[0].astype(jnp.int32)
    dst_flat = edge_index[1].astype(jnp.int32)
    hsrc, hdst = _deg_call(src_flat, dst_flat)
    y = _prescale_call(x, hsrc.reshape(NC, N_PAD, 1))
    parts = _main_call(src_flat, dst_flat, y)
    return _final_call(parts, hdst.reshape(NC, N_PAD, 1))

# --- scband reference (transcript-rebuilt; emitter-appended) ---
"""Pipeline reference for scband-message-passing-layer-12893491823090 (READ-ONLY COPY).

The authoritative reference and input builder live on the scoring server;
editing this copy changes nothing except your own understanding.
"""

import jax, jax.numpy as jnp
import numpy as np

N_NODES = 10000
N_EDGES = 320000
D_FEAT = 128
M_EXP = -0.5
N_EXP = -0.5


def setup_inputs(seed: int = 0) -> dict:
    key = jax.random.key(seed)
    k1, k2 = jax.random.split(key)
    x = jax.random.normal(k1, (N_NODES, D_FEAT), dtype=jnp.float32)
    edge_index = jax.random.randint(k2, (2, N_EDGES), 0, N_NODES, dtype=jnp.int64)
    return {"x": x, "edge_index": edge_index}


def reference(x, edge_index):
    # Non-parametrized GCN-style message passing:
    # rst = D_in^n * A^T * (D_out^m * x)
    N = x.shape[0]
    src = edge_index[0]
    dst = edge_index[1]
    # out-degree normalization on source features
    out_deg = jnp.bincount(src, length=N).astype(jnp.float32)
    out_deg = jnp.clip(out_deg, 1.0, None)
    norm_src = jnp.power(out_deg, M_EXP)
    feat_src = x * norm_src[:, None]
    # gather messages along edges (copy_u) and scatter-sum to destination
    msgs = feat_src[src]
    rst = jax.ops.segment_sum(msgs, dst, num_segments=N)
    # in-degree normalization on aggregated features
    in_deg = jnp.bincount(dst, length=N).astype(jnp.float32)
    in_deg = jnp.clip(in_deg, 1.0, None)
    norm_dst = jnp.power(in_deg, N_EXP)
    rst = rst * norm_dst[:, None]
    return rst

if __name__ == "__main__":
    import jax
    _d = setup_inputs()
    print(jax.jit(kernel)(*tuple(_d.values())))

</pallas_src>

<mosaic_0001>
#map = affine_map<(d0, d1) -> (0)>
#map1 = affine_map<(d0, d1) -> (0, 0)>
module attributes {stable_mosaic.version = 14 : i64} {
  func.func @_deg_body(%arg0: i32, %arg1: i32, %arg2: memref<320000xi32, #tpu.memory_space<hbm>>, %arg3: memref<320000xi32, #tpu.memory_space<hbm>>, %arg4: memref<2x10240xf32, #tpu.memory_space<hbm>>, %arg5: memref<2x10240xf32, #tpu.memory_space<hbm>>, %arg6: memref<10000xi32, #tpu.memory_space<vmem>>, %arg7: memref<10000xi32, #tpu.memory_space<vmem>>, %arg8: memref<80xi32, #tpu.memory_space<vmem>>, %arg9: memref<80xi32, #tpu.memory_space<vmem>>, %arg10: memref<80xi32, #tpu.memory_space<vmem>>, %arg11: memref<80xi32, #tpu.memory_space<vmem>>, %arg12: memref<80xi32, #tpu.memory_space<vmem>>, %arg13: memref<80xi32, #tpu.memory_space<vmem>>, %arg14: memref<80xf32, #tpu.memory_space<vmem>>, %arg15: memref<640xf32, #tpu.memory_space<vmem>>, %arg16: memref<10240xf32, #tpu.memory_space<vmem_shared>>, %arg17: memref<10240xf32, #tpu.memory_space<vmem_shared>>, %arg18: memref<!tpu.dma_semaphore, #tpu.memory_space<semaphore_mem>>) attributes {dimension_semantics = [#tpu.dimension_semantics<core_parallel>, #tpu.dimension_semantics<subcore_parallel>], iteration_bounds = array<i64: 2, 16>, scalar_prefetch = 0 : i64, scratch_operands = 13 : i64, tpu.core_type = #tpu.core_type<sc_vector_subcore>, window_params = [{transform_indices = #map}, {transform_indices = #map}, {transform_indices = #map1}, {transform_indices = #map1}]} {
    %mul3A = arith.constant 2 : i32
    %mul3A_0 = arith.muli %arg1, %mul3A : i32
    %add3A = arith.addi %mul3A_0, %arg0 : i32
    %mul3A_1 = arith.constant 10000 : i32
    %mul3A_2 = arith.muli %add3A, %mul3A_1 : i32
    "tpu.region"() ({
      %run_scoped3A = tpu.sem_alloc : memref<!tpu.dma_semaphore, #tpu.memory_space<semaphore_mem>>
      %dma_start3A = tpu.memref_slice %arg2[%mul3A_2] : memref<320000xi32, #tpu.memory_space<hbm>> -> memref<10000xi32, #tpu.memory_space<hbm>>
      %dma_start3A_33 = tpu.memref_slice %arg2[%mul3A_2] : memref<320000xi32, #tpu.memory_space<hbm>> -> memref<10000xi32, #tpu.memory_space<hbm>>
      tpu.enqueue_dma source(%dma_start3A_33 : memref<10000xi32, #tpu.memory_space<hbm>>) target(%arg6 : memref<10000xi32, #tpu.memory_space<vmem>>) target_semaphore(%run_scoped3A : memref<!tpu.dma_semaphore, #tpu.memory_space<semaphore_mem>>)
      %dma_wait3A_34 = tpu.memref_slice %arg2[%mul3A_2] : memref<320000xi32, #tpu.memory_space<hbm>> -> memref<10000xi32, #tpu.memory_space<hbm>>
      %dma_wait3A_35 = tpu.memref_slice %arg2[%mul3A_2] : memref<320000xi32, #tpu.memory_space<hbm>> -> memref<10000xi32, #tpu.memory_space<hbm>>
      tpu.wait_dma2 semaphore(%run_scoped3A : memref<!tpu.dma_semaphore, #tpu.memory_space<semaphore_mem>>) src(%dma_wait3A_35 : memref<10000xi32, #tpu.memory_space<hbm>>) dst(%arg6 : memref<10000xi32, #tpu.memory_space<vmem>>)
      tpu.yield
    }) : () -> ()
    %mul3A_3 = arith.constant 10000 : i32
    %mul3A_4 = arith.muli %add3A, %mul3A_3 : i32
    "tpu.region"() ({
      %run_scoped3A = tpu.sem_alloc : memref<!tpu.dma_semaphore, #tpu.memory_space<semaphore_mem>>
      %dma_start3A = tpu.memref_slice %arg3[%mul3A_4] : memref<320000xi32, #tpu.memory_space<hbm>> -> memref<10000xi32, #tpu.memory_space<hbm>>
      %dma_start3A_33 = tpu.memref_slice %arg3[%mul3A_4] : memref<320000xi32, #tpu.memory_space<hbm>> -> memref<10000xi32, #tpu.memory_space<hbm>>
      tpu.enqueue_dma source(%dma_start3A_33 : memref<10000xi32, #tpu.memory_space<hbm>>) target(%arg7 : memref<10000xi32, #tpu.memory_space<vmem>>) target_semaphore(%run_scoped3A : memref<!tpu.dma_semaphore, #tpu.memory_space<semaphore_mem>>)
      %dma_wait3A_34 = tpu.memref_slice %arg3[%mul3A_4] : memref<320000xi32, #tpu.memory_space<hbm>> -> memref<10000xi32, #tpu.memory_space<hbm>>
      %dma_wait3A_35 = tpu.memref_slice %arg3[%mul3A_4] : memref<320000xi32, #tpu.memory_space<hbm>> -> memref<10000xi32, #tpu.memory_space<hbm>>
      tpu.wait_dma2 semaphore(%run_scoped3A : memref<!tpu.dma_semaphore, #tpu.memory_space<semaphore_mem>>) src(%dma_wait3A_35 : memref<10000xi32, #tpu.memory_space<hbm>>) dst(%arg7 : memref<10000xi32, #tpu.memory_space<vmem>>)
      tpu.yield
    }) : () -> ()
    %scan3A = arith.constant 0 : i32
    %scan3A_5 = arith.constant 5 : i32
    %scan3A_6 = arith.addi %scan3A, %scan3A_5 : i32
    %scan3A_7 = arith.constant 1 : i32
    scf.for %scan3A_33 = %scan3A to %scan3A_6 step %scan3A_7  : i32 {
      %broadcast_in_dim3A = arith.constant 1.000000e+00 : f32
      %broadcast_in_dim3A_34 = vector.broadcast %broadcast_in_dim3A : f32 to vector<16xf32>
      %mul3A_35 = arith.constant 16 : i32
      %mul3A_36 = arith.muli %scan3A_33, %mul3A_35 : i32
      %swap3A = arith.index_cast %mul3A_36 : i32 to index
      %swap3A_37 = tpu.vector_load %arg14[%swap3A] {strides = array<i32>} : memref<80xf32, #tpu.memory_space<vmem>>, vector<16xf32>,
      %swap3A_38 = vector.shape_cast %swap3A_37 : vector<16xf32> to vector<16xf32>
      %swap3A_39 = vector.shape_cast %broadcast_in_dim3A_34 : vector<16xf32> to vector<16xf32>
      tpu.vector_store %arg14[%swap3A], %swap3A_39 {strides = array<i32>} : memref<80xf32, #tpu.memory_space<vmem>>, vector<16xf32>,
    }
    %scan3A_8 = arith.constant 5 : i32
    %scan3A_9 = arith.constant 0 : i32
    %scan3A_10 = arith.constant 40 : i32
    %scan3A_11 = arith.addi %scan3A_9, %scan3A_10 : i32
    %scan3A_12 = arith.constant 1 : i32
    scf.for %scan3A_33 = %scan3A_9 to %scan3A_11 step %scan3A_12  : i32 {
      %broadcast_in_dim3A = arith.constant 0.000000e+00 : f32
      %broadcast_in_dim3A_34 = vector.broadcast %broadcast_in_dim3A : f32 to vector<16xf32>
      %mul3A_35 = arith.constant 16 : i32
      %mul3A_36 = arith.muli %scan3A_33, %mul3A_35 : i32
      %swap3A = arith.index_cast %mul3A_36 : i32 to index
      %swap3A_37 = tpu.vector_load %arg15[%swap3A] {strides = array<i32>} : memref<640xf32, #tpu.memory_space<vmem>>, vector<16xf32>,
      %swap3A_38 = vector.shape_cast %swap3A_37 : vector<16xf32> to vector<16xf32>
      %swap3A_39 = vector.shape_cast %broadcast_in_dim3A_34 : vector<16xf32> to vector<16xf32>
      tpu.vector_store %arg15[%swap3A], %swap3A_39 {strides = array<i32>} : memref<640xf32, #tpu.memory_space<vmem>>, vector<16xf32>,
    }
    %scan3A_13 = arith.constant 40 : i32
    %mul3A_14 = arith.constant 640 : i32
    %mul3A_15 = arith.muli %arg1, %mul3A_14 : i32
    "tpu.region"() ({
      %run_scoped3A = tpu.sem_alloc : memref<!tpu.dma_semaphore, #tpu.memory_space<semaphore_mem>>
      %dma_start3A = tpu.memref_slice %arg16[%mul3A_15] : memref<10240xf32, #tpu.memory_space<vmem_shared>> -> memref<640xf32, #tpu.memory_space<vmem_shared>>
      %dma_start3A_33 = tpu.memref_slice %arg16[%mul3A_15] : memref<10240xf32, #tpu.memory_space<vmem_shared>> -> memref<640xf32, #tpu.memory_space<vmem_shared>>
      tpu.enqueue_dma source(%arg15 : memref<640xf32, #tpu.memory_space<vmem>>) target(%dma_start3A_33 : memref<640xf32, #tpu.memory_space<vmem_shared>>) target_semaphore(%run_scoped3A : memref<!tpu.dma_semaphore, #tpu.memory_space<semaphore_mem>>)
      %dma_wait3A_34 = tpu.memref_slice %arg16[%mul3A_15] : memref<10240xf32, #tpu.memory_space<vmem_shared>> -> memref<640xf32, #tpu.memory_space<vmem_shared>>
      %dma_wait3A_35 = tpu.memref_slice %arg16[%mul3A_15] : memref<10240xf32, #tpu.memory_space<vmem_shared>> -> memref<640xf32, #tpu.memory_space<vmem_shared>>
      tpu.wait_dma2 semaphore(%run_scoped3A : memref<!tpu.dma_semaphore, #tpu.memory_space<semaphore_mem>>) src(%arg15 : memref<640xf32, #tpu.memory_space<vmem>>) dst(%dma_wait3A_35 : memref<640xf32, #tpu.memory_space<vmem_shared>>)
      tpu.yield
    }) : () -> ()
    %mul3A_16 = arith.constant 640 : i32
    %mul3A_17 = arith.muli %arg1, %mul3A_16 : i32
    "tpu.region"() ({
      %run_scoped3A = tpu.sem_alloc : memref<!tpu.dma_semaphore, #tpu.memory_space<semaphore_mem>>
      %dma_start3A = tpu.memref_slice %arg17[%mul3A_17] : memref<10240xf32, #tpu.memory_space<vmem_shared>> -> memref<640xf32, #tpu.memory_space<vmem_shared>>
      %dma_start3A_33 = tpu.memref_slice %arg17[%mul3A_17] : memref<10240xf32, #tpu.memory_space<vmem_shared>> -> memref<640xf32, #tpu.memory_space<vmem_shared>>
      tpu.enqueue_dma source(%arg15 : memref<640xf32, #tpu.memory_space<vmem>>) target(%dma_start3A_33 : memref<640xf32, #tpu.memory_space<vmem_shared>>) target_semaphore(%run_scoped3A : memref<!tpu.dma_semaphore, #tpu.memory_space<semaphore_mem>>)
      %dma_wait3A_34 = tpu.memref_slice %arg17[%mul3A_17] : memref<10240xf32, #tpu.memory_space<vmem_shared>> -> memref<640xf32, #tpu.memory_space<vmem_shared>>
      %dma_wait3A_35 = tpu.memref_slice %arg17[%mul3A_17] : memref<10240xf32, #tpu.memory_space<vmem_shared>> -> memref<640xf32, #tpu.memory_space<vmem_shared>>
      tpu.wait_dma2 semaphore(%run_scoped3A : memref<!tpu.dma_semaphore, #tpu.memory_space<semaphore_mem>>) src(%arg15 : memref<640xf32, #tpu.memory_space<vmem>>) dst(%dma_wait3A_35 : memref<640xf32, #tpu.memory_space<vmem_shared>>)
      tpu.yield
    }) : () -> ()
    %barrier3A = arith.constant 0 : index
    tpu.barrier barrier_id(%barrier3A)
    %scan3A_18 = arith.constant 0 : i32
    %scan3A_19 = arith.constant 42 : i32
    %scan3A_20 = arith.addi %scan3A_18, %scan3A_19 : i32
    %scan3A_21 = arith.constant 1 : i32
    scf.for %scan3A_33 = %scan3A_18 to %scan3A_20 step %scan3A_21  : i32 {
      %mul3A_34 = arith.constant 3 : i32
      %mul3A_35 = arith.muli %mul3A_34, %scan3A_33 : i32
      %lt3A = arith.constant 125 : i32
      %lt3A_36 = arith.cmpi slt, %mul3A_35, %lt3A : i32
      %convert_element_type3A = arith.extui %lt3A_36 : i1 to i32
      %cond3A = arith.constant 0 : i32
      %cond3A_37 = arith.cmpi ne, %convert_element_type3A, %cond3A : i32
      scf.if %cond3A_37 {
        %mul3A_52 = arith.constant 80 : i32
        %mul3A_53 = arith.muli %mul3A_35, %mul3A_52 : i32
        %add3A_54 = arith.constant 0 : i32
        %add3A_55 = arith.addi %mul3A_53, %add3A_54 : i32
        %get3A = arith.index_cast %add3A_55 : i32 to index
        %get3A_56 = tpu.vector_load %arg6[%get3A] {strides = array<i32>} : memref<10000xi32, #tpu.memory_space<vmem>>, vector<16xi32>,
        %get3A_57 = vector.shape_cast %get3A_56 : vector<16xi32> to vector<16xi32>
        %swap3A = arith.constant 0 : index
        %swap3A_58 = tpu.vector_load %arg8[%swap3A] {strides = array<i32>} : memref<80xi32, #tpu.memory_space<vmem>>, vector<16xi32>,
        %swap3A_59 = vector.shape_cast %swap3A_58 : vector<16xi32> to vector<16xi32>
        %swap3A_60 = vector.shape_cast %get3A_57 : vector<16xi32> to vector<16xi32>
        tpu.vector_store %arg8[%swap3A], %swap3A_60 {strides = array<i32>} : memref<80xi32, #tpu.memory_space<vmem>>, vector<16xi32>,
        %add3A_61 = arith.constant 16 : i32
        %add3A_62 = arith.addi %mul3A_53, %add3A_61 : i32
        %get3A_63 = arith.index_cast %add3A_62 : i32 to index
        %get3A_64 = tpu.vector_load %arg6[%get3A_63] {strides = array<i32>} : memref<10000xi32, #tpu.memory_space<vmem>>, vector<16xi32>,
        %get3A_65 = vector.shape_cast %get3A_64 : vector<16xi32> to vector<16xi32>
        %swap3A_66 = arith.constant 16 : index
        %swap3A_67 = tpu.vector_load %arg8[%swap3A_66] {strides = array<i32>} : memref<80xi32, #tpu.memory_space<vmem>>, vector<16xi32>,
        %swap3A_68 = vector.shape_cast %swap3A_67 : vector<16xi32> to vector<16xi32>
        %swap3A_69 = vector.shape_cast %get3A_65 : vector<16xi32> to vector<16xi32>
        tpu.vector_store %arg8[%swap3A_66], %swap3A_69 {strides = array<i32>} : memref<80xi32, #tpu.memory_space<vmem>>, vector<16xi32>,
        %add3A_70 = arith.constant 32 : i32
        %add3A_71 = arith.addi %mul3A_53, %add3A_70 : i32
        %get3A_72 = arith.index_cast %add3A_71 : i32 to index
        %get3A_73 = tpu.vector_load %arg6[%get3A_72] {strides = array<i32>} : memref<10000xi32, #tpu.memory_space<vmem>>, vector<16xi32>,
        %get3A_74 = vector.shape_cast %get3A_73 : vector<16xi32> to vector<16xi32>
        %swap3A_75 = arith.constant 32 : index
        %swap3A_76 = tpu.vector_load %arg8[%swap3A_75] {strides = array<i32>} : memref<80xi32, #tpu.memory_space<vmem>>, vector<16xi32>,
        %swap3A_77 = vector.shape_cast %swap3A_76 : vector<16xi32> to vector<16xi32>
        %swap3A_78 = vector.shape_cast %get3A_74 : vector<16xi32> to vector<16xi32>
        tpu.vector_store %arg8[%swap3A_75], %swap3A_78 {strides = array<i32>} : memref<80xi32, #tpu.memory_space<vmem>>, vector<16xi32>,
        %add3A_79 = arith.constant 48 : i32
        %add3A_80 = arith.addi %mul3A_53, %add3A_79 : i32
        %get3A_81 = arith.index_cast %add3A_80 : i32 to index
        %get3A_82 = tpu.vector_load %arg6[%get3A_81] {strides = array<i32>} : memref<10000xi32, #tpu.memory_space<vmem>>, vector<16xi32>,
        %get3A_83 = vector.shape_cast %get3A_82 : vector<16xi32> to vector<16xi32>
        %swap3A_84 = arith.constant 48 : index
        %swap3A_85 = tpu.vector_load %arg8[%swap3A_84] {strides = array<i32>} : memref<80xi32, #tpu.memory_space<vmem>>, vector<16xi32>,
        %swap3A_86 = vector.shape_cast %swap3A_85 : vector<16xi32> to vector<16xi32>
        %swap3A_87 = vector.shape_cast %get3A_83 : vector<16xi32> to vector<16xi32>
        tpu.vector_store %arg8[%swap3A_84], %swap3A_87 {strides = array<i32>} : memref<80xi32, #tpu.memory_space<vmem>>, vector<16xi32>,
        %add3A_88 = arith.constant 64 : i32
        %add3A_89 = arith.addi %mul3A_53, %add3A_88 : i32
        %get3A_90 = arith.index_cast %add3A_89 : i32 to index
        %get3A_91 = tpu.vector_load %arg6[%get3A_90] {strides = array<i32>} : memref<10000xi32, #tpu.memory_space<vmem>>, vector<16xi32>,
        %get3A_92 = vector.shape_cast %get3A_91 : vector<16xi32> to vector<16xi32>
        %swap3A_93 = arith.constant 64 : index
        %swap3A_94 = tpu.vector_load %arg8[%swap3A_93] {strides = array<i32>} : memref<80xi32, #tpu.memory_space<vmem>>, vector<16xi32>,
        %swap3A_95 = vector.shape_cast %swap3A_94 : vector<16xi32> to vector<16xi32>
        %swap3A_96 = vector.shape_cast %get3A_92 : vector<16xi32> to vector<16xi32>
        tpu.vector_store %arg8[%swap3A_93], %swap3A_96 {strides = array<i32>} : memref<80xi32, #tpu.memory_space<vmem>>, vector<16xi32>,
        %mul3A_97 = arith.constant 80 : i32
        %mul3A_98 = arith.muli %mul3A_35, %mul3A_97 : i32
        %add3A_99 = arith.constant 0 : i32
        %add3A_100 = arith.addi %mul3A_98, %add3A_99 : i32
        %get3A_101 = arith.index_cast %add3A_100 : i32 to index
        %get3A_102 = tpu.vector_load %arg7[%get3A_101] {strides = array<i32>} : memref<10000xi32, #tpu.memory_space<vmem>>, vector<16xi32>,
        %get3A_103 = vector.shape_cast %get3A_102 : vector<16xi32> to vector<16xi32>
        %swap3A_104 = arith.constant 0 : index
        %swap3A_105 = tpu.vector_load %arg11[%swap3A_104] {strides = array<i32>} : memref<80xi32, #tpu.memory_space<vmem>>, vector<16xi32>,
        %swap3A_106 = vector.shape_cast %swap3A_105 : vector<16xi32> to vector<16xi32>
        %swap3A_107 = vector.shape_cast %get3A_103 : vector<16xi32> to vector<16xi32>
        tpu.vector_store %arg11[%swap3A_104], %swap3A_107 {strides = array<i32>} : memref<80xi32, #tpu.memory_space<vmem>>, vector<16xi32>,
        %add3A_108 = arith.constant 16 : i32
        %add3A_109 = arith.addi %mul3A_98, %add3A_108 : i32
        %get3A_110 = arith.index_cast %add3A_109 : i32 to index
        %get3A_111 = tpu.vector_load %arg7[%get3A_110] {strides = array<i32>} : memref<10000xi32, #tpu.memory_space<vmem>>, vector<16xi32>,
        %get3A_112 = vector.shape_cast %get3A_111 : vector<16xi32> to vector<16xi32>
        %swap3A_113 = arith.constant 16 : index
        %swap3A_114 = tpu.vector_load %arg11[%swap3A_113] {strides = array<i32>} : memref<80xi32, #tpu.memory_space<vmem>>, vector<16xi32>,
        %swap3A_115 = vector.shape_cast %swap3A_114 : vector<16xi32> to vector<16xi32>
        %swap3A_116 = vector.shape_cast %get3A_112 : vector<16xi32> to vector<16xi32>
        tpu.vector_store %arg11[%swap3A_113], %swap3A_116 {strides = array<i32>} : memref<80xi32, #tpu.memory_space<vmem>>, vector<16xi32>,
        %add3A_117 = arith.constant 32 : i32
        %add3A_118 = arith.addi %mul3A_98, %add3A_117 : i32
        %get3A_119 = arith.index_cast %add3A_118 : i32 to index
        %get3A_120 = tpu.vector_load %arg7[%get3A_119] {strides = array<i32>} : memref<10000xi32, #tpu.memory_space<vmem>>, vector<16xi32>,
        %get3A_121 = vector.shape_cast %get3A_120 : vector<16xi32> to vector<16xi32>
        %swap3A_122 = arith.constant 32 : index
        %swap3A_123 = tpu.vector_load %arg11[%swap3A_122] {strides = array<i32>} : memref<80xi32, #tpu.memory_space<vmem>>, vector<16xi32>,
        %swap3A_124 = vector.shape_cast %swap3A_123 : vector<16xi32> to vector<16xi32>
        %swap3A_125 = vector.shape_cast %get3A_121 : vector<16xi32> to vector<16xi32>
        tpu.vector_store %arg11[%swap3A_122], %swap3A_125 {strides = array<i32>} : memref<80xi32, #tpu.memory_space<vmem>>, vector<16xi32>,
        %add3A_126 = arith.constant 48 : i32
        %add3A_127 = arith.addi %mul3A_98, %add3A_126 : i32
        %get3A_128 = arith.index_cast %add3A_127 : i32 to index
        %get3A_129 = tpu.vector_load %arg7[%get3A_128] {strides = array<i32>} : memref<10000xi32, #tpu.memory_space<vmem>>, vector<16xi32>,
        %get3A_130 = vector.shape_cast %get3A_129 : vector<16xi32> to vector<16xi32>
        %swap3A_131 = arith.constant 48 : index
        %swap3A_132 = tpu.vector_load %arg11[%swap3A_131] {strides = array<i32>} : memref<80xi32, #tpu.memory_space<vmem>>, vector<16xi32>,
        %swap3A_133 = vector.shape_cast %swap3A_132 : vector<16xi32> to vector<16xi32>
        %swap3A_134 = vector.shape_cast %get3A_130 : vector<16xi32> to vector<16xi32>
        tpu.vector_store %arg11[%swap3A_131], %swap3A_134 {strides = array<i32>} : memref<80xi32, #tpu.memory_space<vmem>>, vector<16xi32>,
        %add3A_135 = arith.constant 64 : i32
        %add3A_136 = arith.addi %mul3A_98, %add3A_135 : i32
        %get3A_137 = arith.index_cast %add3A_136 : i32 to index
        %get3A_138 = tpu.vector_load %arg7[%get3A_137] {strides = array<i32>} : memref<10000xi32, #tpu.memory_space<vmem>>, vector<16xi32>,
        %get3A_139 = vector.shape_cast %get3A_138 : vector<16xi32> to vector<16xi32>
        %swap3A_140 = arith.constant 64 : index
        %swap3A_141 = tpu.vector_load %arg11[%swap3A_140] {strides = array<i32>} : memref<80xi32, #tpu.memory_space<vmem>>, vector<16xi32>,
        %swap3A_142 = vector.shape_cast %swap3A_141 : vector<16xi32> to vector<16xi32>
        %swap3A_143 = vector.shape_cast %get3A_139 : vector<16xi32> to vector<16xi32>
        tpu.vector_store %arg11[%swap3A_140], %swap3A_143 {strides = array<i32>} : memref<80xi32, #tpu.memory_space<vmem>>, vector<16xi32>,
        %dma_start3A = arith.constant 0 : i32
        %dma_start3A_144 = tpu.memref_slice %arg16[%dma_start3A] : memref<10240xf32, #tpu.memory_space<vmem_shared>> -> memref<10240xf32, #tpu.memory_space<vmem_shared>>
        tpu.enqueue_indirect_dma source(%arg14 : memref<80xf32, #tpu.memory_space<vmem>>) target(%dma_start3A_144 : memref<10240xf32, #tpu.memory_space<vmem_shared>>) offsets(%arg8 : memref<80xi32, #tpu.memory_space<vmem>>) semaphore(%arg18 : memref<!tpu.dma_semaphore, #tpu.memory_space<semaphore_mem>>) {add = true}
        %dma_start3A_145 = arith.constant 0 : i32
        %dma_start3A_146 = tpu.memref_slice %arg17[%dma_start3A_145] : memref<10240xf32, #tpu.memory_space<vmem_shared>> -> memref<10240xf32, #tpu.memory_space<vmem_shared>>
        tpu.enqueue_indirect_dma source(%arg14 : memref<80xf32, #tpu.memory_space<vmem>>) target(%dma_start3A_146 : memref<10240xf32, #tpu.memory_space<vmem_shared>>) offsets(%arg11 : memref<80xi32, #tpu.memory_space<vmem>>) semaphore(%arg18 : memref<!tpu.dma_semaphore, #tpu.memory_space<semaphore_mem>>) {add = true}
        %ge3A = arith.constant 2 : i32
        %ge3A_147 = arith.cmpi sge, %mul3A_35, %ge3A : i32
        %convert_element_type3A_148 = arith.extui %ge3A_147 : i1 to i32
        %cond3A_149 = arith.constant 0 : i32
        %cond3A_150 = arith.cmpi ne, %convert_element_type3A_148, %cond3A_149 : i32
        scf.if %cond3A_150 {
          %dma_wait3A_151 = arith.constant 0 : i32
          %dma_wait3A_152 = tpu.memref_slice %arg16[%dma_wait3A_151] : memref<10240xf32, #tpu.memory_space<vmem_shared>> -> memref<10240xf32, #tpu.memory_space<vmem_shared>>
          tpu.wait_indirect_dma semaphore(%arg18 : memref<!tpu.dma_semaphore, #tpu.memory_space<semaphore_mem>>) src(%arg14 : memref<80xf32, #tpu.memory_space<vmem>>) dst(%dma_wait3A_152 : memref<10240xf32, #tpu.memory_space<vmem_shared>>)
          %dma_wait3A_153 = arith.constant 0 : i32
          %dma_wait3A_154 = tpu.memref_slice %arg17[%dma_wait3A_153] : memref<10240xf32, #tpu.memory_space<vmem_shared>> -> memref<10240xf32, #tpu.memory_space<vmem_shared>>
          tpu.wait_indirect_dma semaphore(%arg18 : memref<!tpu.dma_semaphore, #tpu.memory_space<semaphore_mem>>) src(%arg14 : memref<80xf32, #tpu.memory_space<vmem>>) dst(%dma_wait3A_154 : memref<10240xf32, #tpu.memory_space<vmem_shared>>)
        } else {
        }
      } else {
      }
      %add3A_38 = arith.constant 1 : i32
      %add3A_39 = arith.addi %mul3A_35, %add3A_38 : i32
      %lt3A_40 = arith.constant 125 : i32
      %lt3A_41 = arith.cmpi slt, %add3A_39, %lt3A_40 : i32
      %convert_element_type3A_42 = arith.extui %lt3A_41 : i1 to i32
      %cond3A_43 = arith.constant 0 : i32
      %cond3A_44 = arith.cmpi ne, %convert_element_type3A_42, %cond3A_43 : i32
      scf.if %cond3A_44 {
        %mul3A_52 = arith.constant 80 : i32
        %mul3A_53 = arith.muli %add3A_39, %mul3A_52 : i32
        %add3A_54 = arith.constant 0 : i32
        %add3A_55 = arith.addi %mul3A_53, %add3A_54 : i32
        %get3A = arith.index_cast %add3A_55 : i32 to index
        %get3A_56 = tpu.vector_load %arg6[%get3A] {strides = array<i32>} : memref<10000xi32, #tpu.memory_space<vmem>>, vector<16xi32>,
        %get3A_57 = vector.shape_cast %get3A_56 : vector<16xi32> to vector<16xi32>
        %swap3A = arith.constant 0 : index
        %swap3A_58 = tpu.vector_load %arg9[%swap3A] {strides = array<i32>} : memref<80xi32, #tpu.memory_space<vmem>>, vector<16xi32>,
        %swap3A_59 = vector.shape_cast %swap3A_58 : vector<16xi32> to vector<16xi32>
        %swap3A_60 = vector.shape_cast %get3A_57 : vector<16xi32> to vector<16xi32>
        tpu.vector_store %arg9[%swap3A], %swap3A_60 {strides = array<i32>} : memref<80xi32, #tpu.memory_space<vmem>>, vector<16xi32>,
        %add3A_61 = arith.constant 16 : i32
        %add3A_62 = arith.addi %mul3A_53, %add3A_61 : i32
        %get3A_63 = arith.index_cast %add3A_62 : i32 to index
        %get3A_64 = tpu.vector_load %arg6[%get3A_63] {strides = array<i32>} : memref<10000xi32, #tpu.memory_space<vmem>>, vector<16xi32>,
        %get3A_65 = vector.shape_cast %get3A_64 : vector<16xi32> to vector<16xi32>
        %swap3A_66 = arith.constant 16 : index
        %swap3A_67 = tpu.vector_load %arg9[%swap3A_66] {strides = array<i32>} : memref<80xi32, #tpu.memory_space<vmem>>, vector<16xi32>,
        %swap3A_68 = vector.shape_cast %swap3A_67 : vector<16xi32> to vector<16xi32>
        %swap3A_69 = vector.shape_cast %get3A_65 : vector<16xi32> to vector<16xi32>
        tpu.vector_store %arg9[%swap3A_66], %swap3A_69 {strides = array<i32>} : memref<80xi32, #tpu.memory_space<vmem>>, vector<16xi32>,
        %add3A_70 = arith.constant 32 : i32
        %add3A_71 = arith.addi %mul3A_53, %add3A_70 : i32
        %get3A_72 = arith.index_cast %add3A_71 : i32 to index
        %get3A_73 = tpu.vector_load %arg6[%get3A_72] {strides = array<i32>} : memref<10000xi32, #tpu.memory_space<vmem>>, vector<16xi32>,
        %get3A_74 = vector.shape_cast %get3A_73 : vector<16xi32> to vector<16xi32>
        %swap3A_75 = arith.constant 32 : index
        %swap3A_76 = tpu.vector_load %arg9[%swap3A_75] {strides = array<i32>} : memref<80xi32, #tpu.memory_space<vmem>>, vector<16xi32>,
        %swap3A_77 = vector.shape_cast %swap3A_76 : vector<16xi32> to vector<16xi32>
        %swap3A_78 = vector.shape_cast %get3A_74 : vector<16xi32> to vector<16xi32>
        tpu.vector_store %arg9[%swap3A_75], %swap3A_78 {strides = array<i32>} : memref<80xi32, #tpu.memory_space<vmem>>, vector<16xi32>,
        %add3A_79 = arith.constant 48 : i32
        %add3A_80 = arith.addi %mul3A_53, %add3A_79 : i32
        %get3A_81 = arith.index_cast %add3A_80 : i32 to index
        %get3A_82 = tpu.vector_load %arg6[%get3A_81] {strides = array<i32>} : memref<10000xi32, #tpu.memory_space<vmem>>, vector<16xi32>,
        %get3A_83 = vector.shape_cast %get3A_82 : vector<16xi32> to vector<16xi32>
        %swap3A_84 = arith.constant 48 : index
        %swap3A_85 = tpu.vector_load %arg9[%swap3A_84] {strides = array<i32>} : memref<80xi32, #tpu.memory_space<vmem>>, vector<16xi32>,
        %swap3A_86 = vector.shape_cast %swap3A_85 : vector<16xi32> to vector<16xi32>
        %swap3A_87 = vector.shape_cast %get3A_83 : vector<16xi32> to vector<16xi32>
        tpu.vector_store %arg9[%swap3A_84], %swap3A_87 {strides = array<i32>} : memref<80xi32, #tpu.memory_space<vmem>>, vector<16xi32>,
        %add3A_88 = arith.constant 64 : i32
        %add3A_89 = arith.addi %mul3A_53, %add3A_88 : i32
        %get3A_90 = arith.index_cast %add3A_89 : i32 to index
        %get3A_91 = tpu.vector_load %arg6[%get3A_90] {strides = array<i32>} : memref<10000xi32, #tpu.memory_space<vmem>>, vector<16xi32>,
        %get3A_92 = vector.shape_cast %get3A_91 : vector<16xi32> to vector<16xi32>
        %swap3A_93 = arith.constant 64 : index
        %swap3A_94 = tpu.vector_load %arg9[%swap3A_93] {strides = array<i32>} : memref<80xi32, #tpu.memory_space<vmem>>, vector<16xi32>,
        %swap3A_95 = vector.shape_cast %swap3A_94 : vector<16xi32> to vector<16xi32>
        %swap3A_96 = vector.shape_cast %get3A_92 : vector<16xi32> to vector<16xi32>
        tpu.vector_store %arg9[%swap3A_93], %swap3A_96 {strides = array<i32>} : memref<80xi32, #tpu.memory_space<vmem>>, vector<16xi32>,
        %mul3A_97 = arith.constant 80 : i32
        %mul3A_98 = arith.muli %add3A_39, %mul3A_97 : i32
        %add3A_99 = arith.constant 0 : i32
        %add3A_100 = arith.addi %mul3A_98, %add3A_99 : i32
        %get3A_101 = arith.index_cast %add3A_100 : i32 to index
        %get3A_102 = tpu.vector_load %arg7[%get3A_101] {strides = array<i32>} : memref<10000xi32, #tpu.memory_space<vmem>>, vector<16xi32>,
        %get3A_103 = vector.shape_cast %get3A_102 : vector<16xi32> to vector<16xi32>
        %swap3A_104 = arith.constant 0 : index
        %swap3A_105 = tpu.vector_load %arg12[%swap3A_104] {strides = array<i32>} : memref<80xi32, #tpu.memory_space<vmem>>, vector<16xi32>,
        %swap3A_106 = vector.shape_cast %swap3A_105 : vector<16xi32> to vector<16xi32>
        %swap3A_107 = vector.shape_cast %get3A_103 : vector<16xi32> to vector<16xi32>
        tpu.vector_store %arg12[%swap3A_104], %swap3A_107 {strides = array<i32>} : memref<80xi32, #tpu.memory_space<vmem>>, vector<16xi32>,
        %add3A_108 = arith.constant 16 : i32
        %add3A_109 = arith.addi %mul3A_98, %add3A_108 : i32
        %get3A_110 = arith.index_cast %add3A_109 : i32 to index
        %get3A_111 = tpu.vector_load %arg7[%get3A_110] {strides = array<i32>} : memref<10000xi32, #tpu.memory_space<vmem>>, vector<16xi32>,
        %get3A_112 = vector.shape_cast %get3A_111 : vector<16xi32> to vector<16xi32>
        %swap3A_113 = arith.constant 16 : index
        %swap3A_114 = tpu.vector_load %arg12[%swap3A_113] {strides = array<i32>} : memref<80xi32, #tpu.memory_space<vmem>>, vector<16xi32>,
        %swap3A_115 = vector.shape_cast %swap3A_114 : vector<16xi32> to vector<16xi32>
        %swap3A_116 = vector.shape_cast %get3A_112 : vector<16xi32> to vector<16xi32>
        tpu.vector_store %arg12[%swap3A_113], %swap3A_116 {strides = array<i32>} : memref<80xi32, #tpu.memory_space<vmem>>, vector<16xi32>,
        %add3A_117 = arith.constant 32 : i32
        %add3A_118 = arith.addi %mul3A_98, %add3A_117 : i32
        %get3A_119 = arith.index_cast %add3A_118 : i32 to index
        %get3A_120 = tpu.vector_load %arg7[%get3A_119] {strides = array<i32>} : memref<10000xi32, #tpu.memory_space<vmem>>, vector<16xi32>,
        %get3A_121 = vector.shape_cast %get3A_120 : vector<16xi32> to vector<16xi32>
        %swap3A_122 = arith.constant 32 : index
        %swap3A_123 = tpu.vector_load %arg12[%swap3A_122] {strides = array<i32>} : memref<80xi32, #tpu.memory_space<vmem>>, vector<16xi32>,
        %swap3A_124 = vector.shape_cast %swap3A_123 : vector<16xi32> to vector<16xi32>
        %swap3A_125 = vector.shape_cast %get3A_121 : vector<16xi32> to vector<16xi32>
        tpu.vector_store %arg12[%swap3A_122], %swap3A_125 {strides = array<i32>} : memref<80xi32, #tpu.memory_space<vmem>>, vector<16xi32>,
        %add3A_126 = arith.constant 48 : i32
        %add3A_127 = arith.addi %mul3A_98, %add3A_126 : i32
        %get3A_128 = arith.index_cast %add3A_127 : i32 to index
        %get3A_129 = tpu.vector_load %arg7[%get3A_128] {strides = array<i32>} : memref<10000xi32, #tpu.memory_space<vmem>>, vector<16xi32>,
        %get3A_130 = vector.shape_cast %get3A_129 : vector<16xi32> to vector<16xi32>
        %swap3A_131 = arith.constant 48 : index
        %swap3A_132 = tpu.vector_load %arg12[%swap3A_131] {strides = array<i32>} : memref<80xi32, #tpu.memory_space<vmem>>, vector<16xi32>,
        %swap3A_133 = vector.shape_cast %swap3A_132 : vector<16xi32> to vector<16xi32>
        %swap3A_134 = vector.shape_cast %get3A_130 : vector<16xi32> to vector<16xi32>
        tpu.vector_store %arg12[%swap3A_131], %swap3A_134 {strides = array<i32>} : memref<80xi32, #tpu.memory_space<vmem>>, vector<16xi32>,
        %add3A_135 = arith.constant 64 : i32
        %add3A_136 = arith.addi %mul3A_98, %add3A_135 : i32
        %get3A_137 = arith.index_cast %add3A_136 : i32 to index
        %get3A_138 = tpu.vector_load %arg7[%get3A_137] {strides = array<i32>} : memref<10000xi32, #tpu.memory_space<vmem>>, vector<16xi32>,
        %get3A_139 = vector.shape_cast %get3A_138 : vector<16xi32> to vector<16xi32>
        %swap3A_140 = arith.constant 64 : index
        %swap3A_141 = tpu.vector_load %arg12[%swap3A_140] {strides = array<i32>} : memref<80xi32, #tpu.memory_space<vmem>>, vector<16xi32>,
        %swap3A_142 = vector.shape_cast %swap3A_141 : vector<16xi32> to vector<16xi32>
        %swap3A_143 = vector.shape_cast %get3A_139 : vector<16xi32> to vector<16xi32>
        tpu.vector_store %arg12[%swap3A_140], %swap3A_143 {strides = array<i32>} : memref<80xi32, #tpu.memory_space<vmem>>, vector<16xi32>,
        %dma_start3A = arith.constant 0 : i32
        %dma_start3A_144 = tpu.memref_slice %arg16[%dma_start3A] : memref<10240xf32, #tpu.memory_space<vmem_shared>> -> memref<10240xf32, #tpu.memory_space<vmem_shared>>
        tpu.enqueue_indirect_dma source(%arg14 : memref<80xf32, #tpu.memory_space<vmem>>) target(%dma_start3A_144 : memref<10240xf32, #tpu.memory_space<vmem_shared>>) offsets(%arg9 : memref<80xi32, #tpu.memory_space<vmem>>) semaphore(%arg18 : memref<!tpu.dma_semaphore, #tpu.memory_space<semaphore_mem>>) {add = true}
        %dma_start3A_145 = arith.constant 0 : i32
        %dma_start3A_146 = tpu.memref_slice %arg17[%dma_start3A_145] : memref<10240xf32, #tpu.memory_space<vmem_shared>> -> memref<10240xf32, #tpu.memory_space<vmem_shared>>
        tpu.enqueue_indirect_dma source(%arg14 : memref<80xf32, #tpu.memory_space<vmem>>) target(%dma_start3A_146 : memref<10240xf32, #tpu.memory_space<vmem_shared>>) offsets(%arg12 : memref<80xi32, #tpu.memory_space<vmem>>) semaphore(%arg18 : memref<!tpu.dma_semaphore, #tpu.memory_space<semaphore_mem>>) {add = true}
        %ge3A = arith.constant 2 : i32
        %ge3A_147 = arith.cmpi sge, %add3A_39, %ge3A : i32
        %convert_element_type3A_148 = arith.extui %ge3A_147 : i1 to i32
        %cond3A_149 = arith.constant 0 : i32
        %cond3A_150 = arith.cmpi ne, %convert_element_type3A_148, %cond3A_149 : i32
        scf.if %cond3A_150 {
          %dma_wait3A_151 = arith.constant 0 : i32
          %dma_wait3A_152 = tpu.memref_slice %arg16[%dma_wait3A_151] : memref<10240xf32, #tpu.memory_space<vmem_shared>> -> memref<10240xf32, #tpu.memory_space<vmem_shared>>
          tpu.wait_indirect_dma semaphore(%arg18 : memref<!tpu.dma_semaphore, #tpu.memory_space<semaphore_mem>>) src(%arg14 : memref<80xf32, #tpu.memory_space<vmem>>) dst(%dma_wait3A_152 : memref<10240xf32, #tpu.memory_space<vmem_shared>>)
          %dma_wait3A_153 = arith.constant 0 : i32
          %dma_wait3A_154 = tpu.memref_slice %arg17[%dma_wait3A_153] : memref<10240xf32, #tpu.memory_space<vmem_shared>> -> memref<10240xf32, #tpu.memory_space<vmem_shared>>
          tpu.wait_indirect_dma semaphore(%arg18 : memref<!tpu.dma_semaphore, #tpu.memory_space<semaphore_mem>>) src(%arg14 : memref<80xf32, #tpu.memory_space<vmem>>) dst(%dma_wait3A_154 : memref<10240xf32, #tpu.memory_space<vmem_shared>>)
        } else {
        }
      } else {
      }
      %add3A_45 = arith.constant 2 : i32
      %add3A_46 = arith.addi %mul3A_35, %add3A_45 : i32
      %lt3A_47 = arith.constant 125 : i32
      %lt3A_48 = arith.cmpi slt, %add3A_46, %lt3A_47 : i32
      %convert_element_type3A_49 = arith.extui %lt3A_48 : i1 to i32
      %cond3A_50 = arith.constant 0 : i32
      %cond3A_51 = arith.cmpi ne, %convert_element_type3A_49, %cond3A_50 : i32
      scf.if %cond3A_51 {
        %mul3A_52 = arith.constant 80 : i32
        %mul3A_53 = arith.muli %add3A_46, %mul3A_52 : i32
        %add3A_54 = arith.constant 0 : i32
        %add3A_55 = arith.addi %mul3A_53, %add3A_54 : i32
        %get3A = arith.index_cast %add3A_55 : i32 to index
        %get3A_56 = tpu.vector_load %arg6[%get3A] {strides = array<i32>} : memref<10000xi32, #tpu.memory_space<vmem>>, vector<16xi32>,
        %get3A_57 = vector.shape_cast %get3A_56 : vector<16xi32> to vector<16xi32>
        %swap3A = arith.constant 0 : index
        %swap3A_58 = tpu.vector_load %arg10[%swap3A] {strides = array<i32>} : memref<80xi32, #tpu.memory_space<vmem>>, vector<16xi32>,
        %swap3A_59 = vector.shape_cast %swap3A_58 : vector<16xi32> to vector<16xi32>
        %swap3A_60 = vector.shape_cast %get3A_57 : vector<16xi32> to vector<16xi32>
        tpu.vector_store %arg10[%swap3A], %swap3A_60 {strides = array<i32>} : memref<80xi32, #tpu.memory_space<vmem>>, vector<16xi32>,
        %add3A_61 = arith.constant 16 : i32
        %add3A_62 = arith.addi %mul3A_53, %add3A_61 : i32
        %get3A_63 = arith.index_cast %add3A_62 : i32 to index
        %get3A_64 = tpu.vector_load %arg6[%get3A_63] {strides = array<i32>} : memref<10000xi32, #tpu.memory_space<vmem>>, vector<16xi32>,
        %get3A_65 = vector.shape_cast %get3A_64 : vector<16xi32> to vector<16xi32>
        %swap3A_66 = arith.constant 16 : index
        %swap3A_67 = tpu.vector_load %arg10[%swap3A_66] {strides = array<i32>} : memref<80xi32, #tpu.memory_space<vmem>>, vector<16xi32>,
        %swap3A_68 = vector.shape_cast %swap3A_67 : vector<16xi32> to vector<16xi32>
        %swap3A_69 = vector.shape_cast %get3A_65 : vector<16xi32> to vector<16xi32>
        tpu.vector_store %arg10[%swap3A_66], %swap3A_69 {strides = array<i32>} : memref<80xi32, #tpu.memory_space<vmem>>, vector<16xi32>,
        %add3A_70 = arith.constant 32 : i32
        %add3A_71 = arith.addi %mul3A_53, %add3A_70 : i32
        %get3A_72 = arith.index_cast %add3A_71 : i32 to index
        %get3A_73 = tpu.vector_load %arg6[%get3A_72] {strides = array<i32>} : memref<10000xi32, #tpu.memory_space<vmem>>, vector<16xi32>,
        %get3A_74 = vector.shape_cast %get3A_73 : vector<16xi32> to vector<16xi32>
        %swap3A_75 = arith.constant 32 : index
        %swap3A_76 = tpu.vector_load %arg10[%swap3A_75] {strides = array<i32>} : memref<80xi32, #tpu.memory_space<vmem>>, vector<16xi32>,
        %swap3A_77 = vector.shape_cast %swap3A_76 : vector<16xi32> to vector<16xi32>
        %swap3A_78 = vector.shape_cast %get3A_74 : vector<16xi32> to vector<16xi32>
        tpu.vector_store %arg10[%swap3A_75], %swap3A_78 {strides = array<i32>} : memref<80xi32, #tpu.memory_space<vmem>>, vector<16xi32>,
        %add3A_79 = arith.constant 48 : i32
        %add3A_80 = arith.addi %mul3A_53, %add3A_79 : i32
        %get3A_81 = arith.index_cast %add3A_80 : i32 to index
        %get3A_82 = tpu.vector_load %arg6[%get3A_81] {strides = array<i32>} : memref<10000xi32, #tpu.memory_space<vmem>>, vector<16xi32>,
        %get3A_83 = vector.shape_cast %get3A_82 : vector<16xi32> to vector<16xi32>
        %swap3A_84 = arith.constant 48 : index
        %swap3A_85 = tpu.vector_load %arg10[%swap3A_84] {strides = array<i32>} : memref<80xi32, #tpu.memory_space<vmem>>, vector<16xi32>,
        %swap3A_86 = vector.shape_cast %swap3A_85 : vector<16xi32> to vector<16xi32>
        %swap3A_87 = vector.shape_cast %get3A_83 : vector<16xi32> to vector<16xi32>
        tpu.vector_store %arg10[%swap3A_84], %swap3A_87 {strides = array<i32>} : memref<80xi32, #tpu.memory_space<vmem>>, vector<16xi32>,
        %add3A_88 = arith.constant 64 : i32
        %add3A_89 = arith.addi %mul3A_53, %add3A_88 : i32
        %get3A_90 = arith.index_cast %add3A_89 : i32 to index
        %get3A_91 = tpu.vector_load %arg6[%get3A_90] {strides = array<i32>} : memref<10000xi32, #tpu.memory_space<vmem>>, vector<16xi32>,
        %get3A_92 = vector.shape_cast %get3A_91 : vector<16xi32> to vector<16xi32>
        %swap3A_93 = arith.constant 64 : index
        %swap3A_94 = tpu.vector_load %arg10[%swap3A_93] {strides = array<i32>} : memref<80xi32, #tpu.memory_space<vmem>>, vector<16xi32>,
        %swap3A_95 = vector.shape_cast %swap3A_94 : vector<16xi32> to vector<16xi32>
        %swap3A_96 = vector.shape_cast %get3A_92 : vector<16xi32> to vector<16xi32>
        tpu.vector_store %arg10[%swap3A_93], %swap3A_96 {strides = array<i32>} : memref<80xi32, #tpu.memory_space<vmem>>, vector<16xi32>,
        %mul3A_97 = arith.constant 80 : i32
        %mul3A_98 = arith.muli %add3A_46, %mul3A_97 : i32
        %add3A_99 = arith.constant 0 : i32
        %add3A_100 = arith.addi %mul3A_98, %add3A_99 : i32
        %get3A_101 = arith.index_cast %add3A_100 : i32 to index
        %get3A_102 = tpu.vector_load %arg7[%get3A_101] {strides = array<i32>} : memref<10000xi32, #tpu.memory_space<vmem>>, vector<16xi32>,
        %get3A_103 = vector.shape_cast %get3A_102 : vector<16xi32> to vector<16xi32>
        %swap3A_104 = arith.constant 0 : index
        %swap3A_105 = tpu.vector_load %arg13[%swap3A_104] {strides = array<i32>} : memref<80xi32, #tpu.memory_space<vmem>>, vector<16xi32>,
        %swap3A_106 = vector.shape_cast %swap3A_105 : vector<16xi32> to vector<16xi32>
        %swap3A_107 = vector.shape_cast %get3A_103 : vector<16xi32> to vector<16xi32>
        tpu.vector_store %arg13[%swap3A_104], %swap3A_107 {strides = array<i32>} : memref<80xi32, #tpu.memory_space<vmem>>, vector<16xi32>,
        %add3A_108 = arith.constant 16 : i32
        %add3A_109 = arith.addi %mul3A_98, %add3A_108 : i32
        %get3A_110 = arith.index_cast %add3A_109 : i32 to index
        %get3A_111 = tpu.vector_load %arg7[%get3A_110] {strides = array<i32>} : memref<10000xi32, #tpu.memory_space<vmem>>, vector<16xi32>,
        %get3A_112 = vector.shape_cast %get3A_111 : vector<16xi32> to vector<16xi32>
        %swap3A_113 = arith.constant 16 : index
        %swap3A_114 = tpu.vector_load %arg13[%swap3A_113] {strides = array<i32>} : memref<80xi32, #tpu.memory_space<vmem>>, vector<16xi32>,
        %swap3A_115 = vector.shape_cast %swap3A_114 : vector<16xi32> to vector<16xi32>
        %swap3A_116 = vector.shape_cast %get3A_112 : vector<16xi32> to vector<16xi32>
        tpu.vector_store %arg13[%swap3A_113], %swap3A_116 {strides = array<i32>} : memref<80xi32, #tpu.memory_space<vmem>>, vector<16xi32>,
        %add3A_117 = arith.constant 32 : i32
        %add3A_118 = arith.addi %mul3A_98, %add3A_117 : i32
        %get3A_119 = arith.index_cast %add3A_118 : i32 to index
        %get3A_120 = tpu.vector_load %arg7[%get3A_119] {strides = array<i32>} : memref<10000xi32, #tpu.memory_space<vmem>>, vector<16xi32>,
        %get3A_121 = vector.shape_cast %get3A_120 : vector<16xi32> to vector<16xi32>
        %swap3A_122 = arith.constant 32 : index
        %swap3A_123 = tpu.vector_load %arg13[%swap3A_122] {strides = array<i32>} : memref<80xi32, #tpu.memory_space<vmem>>, vector<16xi32>,
        %swap3A_124 = vector.shape_cast %swap3A_123 : vector<16xi32> to vector<16xi32>
        %swap3A_125 = vector.shape_cast %get3A_121 : vector<16xi32> to vector<16xi32>
        tpu.vector_store %arg13[%swap3A_122], %swap3A_125 {strides = array<i32>} : memref<80xi32, #tpu.memory_space<vmem>>, vector<16xi32>,
        %add3A_126 = arith.constant 48 : i32
        %add3A_127 = arith.addi %mul3A_98, %add3A_126 : i32
        %get3A_128 = arith.index_cast %add3A_127 : i32 to index
        %get3A_129 = tpu.vector_load %arg7[%get3A_128] {strides = array<i32>} : memref<10000xi32, #tpu.memory_space<vmem>>, vector<16xi32>,
        %get3A_130 = vector.shape_cast %get3A_129 : vector<16xi32> to vector<16xi32>
        %swap3A_131 = arith.constant 48 : index
        %swap3A_132 = tpu.vector_load %arg13[%swap3A_131] {strides = array<i32>} : memref<80xi32, #tpu.memory_space<vmem>>, vector<16xi32>,
        %swap3A_133 = vector.shape_cast %swap3A_132 : vector<16xi32> to vector<16xi32>
        %swap3A_134 = vector.shape_cast %get3A_130 : vector<16xi32> to vector<16xi32>
        tpu.vector_store %arg13[%swap3A_131], %swap3A_134 {strides = array<i32>} : memref<80xi32, #tpu.memory_space<vmem>>, vector<16xi32>,
        %add3A_135 = arith.constant 64 : i32
        %add3A_136 = arith.addi %mul3A_98, %add3A_135 : i32
        %get3A_137 = arith.index_cast %add3A_136 : i32 to index
        %get3A_138 = tpu.vector_load %arg7[%get3A_137] {strides = array<i32>} : memref<10000xi32, #tpu.memory_space<vmem>>, vector<16xi32>,
        %get3A_139 = vector.shape_cast %get3A_138 : vector<16xi32> to vector<16xi32>
        %swap3A_140 = arith.constant 64 : index
        %swap3A_141 = tpu.vector_load %arg13[%swap3A_140] {strides = array<i32>} : memref<80xi32, #tpu.memory_space<vmem>>, vector<16xi32>,
        %swap3A_142 = vector.shape_cast %swap3A_141 : vector<16xi32> to vector<16xi32>
        %swap3A_143 = vector.shape_cast %get3A_139 : vector<16xi32> to vector<16xi32>
        tpu.vector_store %arg13[%swap3A_140], %swap3A_143 {strides = array<i32>} : memref<80xi32, #tpu.memory_space<vmem>>, vector<16xi32>,
        %dma_start3A = arith.constant 0 : i32
        %dma_start3A_144 = tpu.memref_slice %arg16[%dma_start3A] : memref<10240xf32, #tpu.memory_space<vmem_shared>> -> memref<10240xf32, #tpu.memory_space<vmem_shared>>
        tpu.enqueue_indirect_dma source(%arg14 : memref<80xf32, #tpu.memory_space<vmem>>) target(%dma_start3A_144 : memref<10240xf32, #tpu.memory_space<vmem_shared>>) offsets(%arg10 : memref<80xi32, #tpu.memory_space<vmem>>) semaphore(%arg18 : memref<!tpu.dma_semaphore, #tpu.memory_space<semaphore_mem>>) {add = true}
        %dma_start3A_145 = arith.constant 0 : i32
        %dma_start3A_146 = tpu.memref_slice %arg17[%dma_start3A_145] : memref<10240xf32, #tpu.memory_space<vmem_shared>> -> memref<10240xf32, #tpu.memory_space<vmem_shared>>
        tpu.enqueue_indirect_dma source(%arg14 : memref<80xf32, #tpu.memory_space<vmem>>) target(%dma_start3A_146 : memref<10240xf32, #tpu.memory_space<vmem_shared>>) offsets(%arg13 : memref<80xi32, #tpu.memory_space<vmem>>) semaphore(%arg18 : memref<!tpu.dma_semaphore, #tpu.memory_space<semaphore_mem>>) {add = true}
        %ge3A = arith.constant 2 : i32
        %ge3A_147 = arith.cmpi sge, %add3A_46, %ge3A : i32
        %convert_element_type3A_148 = arith.extui %ge3A_147 : i1 to i32
        %cond3A_149 = arith.constant 0 : i32
        %cond3A_150 = arith.cmpi ne, %convert_element_type3A_148, %cond3A_149 : i32
        scf.if %cond3A_150 {
          %dma_wait3A_151 = arith.constant 0 : i32
          %dma_wait3A_152 = tpu.memref_slice %arg16[%dma_wait3A_151] : memref<10240xf32, #tpu.memory_space<vmem_shared>> -> memref<10240xf32, #tpu.memory_space<vmem_shared>>
          tpu.wait_indirect_dma semaphore(%arg18 : memref<!tpu.dma_semaphore, #tpu.memory_space<semaphore_mem>>) src(%arg14 : memref<80xf32, #tpu.memory_space<vmem>>) dst(%dma_wait3A_152 : memref<10240xf32, #tpu.memory_space<vmem_shared>>)
          %dma_wait3A_153 = arith.constant 0 : i32
          %dma_wait3A_154 = tpu.memref_slice %arg17[%dma_wait3A_153] : memref<10240xf32, #tpu.memory_space<vmem_shared>> -> memref<10240xf32, #tpu.memory_space<vmem_shared>>
          tpu.wait_indirect_dma semaphore(%arg18 : memref<!tpu.dma_semaphore, #tpu.memory_space<semaphore_mem>>) src(%arg14 : memref<80xf32, #tpu.memory_space<vmem>>) dst(%dma_wait3A_154 : memref<10240xf32, #tpu.memory_space<vmem_shared>>)
        } else {
        }
      } else {
      }
    }
    %scan3A_22 = arith.constant 42 : i32
    %dma_wait3A = arith.constant 0 : i32
    %dma_wait3A_23 = tpu.memref_slice %arg16[%dma_wait3A] : memref<10240xf32, #tpu.memory_space<vmem_shared>> -> memref<10240xf32, #tpu.memory_space<vmem_shared>>
    tpu.wait_indirect_dma semaphore(%arg18 : memref<!tpu.dma_semaphore, #tpu.memory_space<semaphore_mem>>) src(%arg14 : memref<80xf32, #tpu.memory_space<vmem>>) dst(%dma_wait3A_23 : memref<10240xf32, #tpu.memory_space<vmem_shared>>)
    %dma_wait3A_24 = arith.constant 0 : i32
    %dma_wait3A_25 = tpu.memref_slice %arg17[%dma_wait3A_24] : memref<10240xf32, #tpu.memory_space<vmem_shared>> -> memref<10240xf32, #tpu.memory_space<vmem_shared>>
    tpu.wait_indirect_dma semaphore(%arg18 : memref<!tpu.dma_semaphore, #tpu.memory_space<semaphore_mem>>) src(%arg14 : memref<80xf32, #tpu.memory_space<vmem>>) dst(%dma_wait3A_25 : memref<10240xf32, #tpu.memory_space<vmem_shared>>)
    %dma_wait3A_26 = arith.constant 0 : i32
    %dma_wait3A_27 = tpu.memref_slice %arg16[%dma_wait3A_26] : memref<10240xf32, #tpu.memory_space<vmem_shared>> -> memref<10240xf32, #tpu.memory_space<vmem_shared>>
    tpu.wait_indirect_dma semaphore(%arg18 : memref<!tpu.dma_semaphore, #tpu.memory_space<semaphore_mem>>) src(%arg14 : memref<80xf32, #tpu.memory_space<vmem>>) dst(%dma_wait3A_27 : memref<10240xf32, #tpu.memory_space<vmem_shared>>)
    %dma_wait3A_28 = arith.constant 0 : i32
    %dma_wait3A_29 = tpu.memref_slice %arg17[%dma_wait3A_28] : memref<10240xf32, #tpu.memory_space<vmem_shared>> -> memref<10240xf32, #tpu.memory_space<vmem_shared>>
    tpu.wait_indirect_dma semaphore(%arg18 : memref<!tpu.dma_semaphore, #tpu.memory_space<semaphore_mem>>) src(%arg14 : memref<80xf32, #tpu.memory_space<vmem>>) dst(%dma_wait3A_29 : memref<10240xf32, #tpu.memory_space<vmem_shared>>)
    %barrier3A_30 = arith.constant 0 : index
    tpu.barrier barrier_id(%barrier3A_30)
    %mul3A_31 = arith.constant 640 : i32
    %mul3A_32 = arith.muli %arg1, %mul3A_31 : i32
    "tpu.region"() ({
      %run_scoped3A = tpu.sem_alloc : memref<!tpu.dma_semaphore, #tpu.memory_space<semaphore_mem>>
      %dma_start3A = tpu.memref_slice %arg4[%arg0, %mul3A_32] : memref<2x10240xf32, #tpu.memory_space<hbm>> -> memref<1x640xf32, #tpu.memory_space<hbm>>
      %dma_start3A_33 = tpu.memref_squeeze %dma_start3A : memref<1x640xf32, #tpu.memory_space<hbm>> -> memref<640xf32, #tpu.memory_space<hbm>>
      %dma_start3A_34 = tpu.memref_slice %arg16[%mul3A_32] : memref<10240xf32, #tpu.memory_space<vmem_shared>> -> memref<640xf32, #tpu.memory_space<vmem_shared>>
      tpu.enqueue_dma source(%dma_start3A_34 : memref<640xf32, #tpu.memory_space<vmem_shared>>) target(%dma_start3A_33 : memref<640xf32, #tpu.memory_space<hbm>>) target_semaphore(%run_scoped3A : memref<!tpu.dma_semaphore, #tpu.memory_space<semaphore_mem>>)
      %dma_wait3A_35 = tpu.memref_slice %arg4[%arg0, %mul3A_32] : memref<2x10240xf32, #tpu.memory_space<hbm>> -> memref<1x640xf32, #tpu.memory_space<hbm>>
      %dma_wait3A_36 = tpu.memref_squeeze %dma_wait3A_35 : memref<1x640xf32, #tpu.memory_space<hbm>> -> memref<640xf32, #tpu.memory_space<hbm>>
      %dma_wait3A_37 = tpu.memref_slice %arg16[%mul3A_32] : memref<10240xf32, #tpu.memory_space<vmem_shared>> -> memref<640xf32, #tpu.memory_space<vmem_shared>>
      tpu.wait_dma2 semaphore(%run_scoped3A : memref<!tpu.dma_semaphore, #tpu.memory_space<semaphore_mem>>) src(%dma_wait3A_37 : memref<640xf32, #tpu.memory_space<vmem_shared>>) dst(%dma_wait3A_36 : memref<640xf32, #tpu.memory_space<hbm>>)
      tpu.yield
    }) : () -> ()
    "tpu.region"() ({
      %run_scoped3A = tpu.sem_alloc : memref<!tpu.dma_semaphore, #tpu.memory_space<semaphore_mem>>
      %dma_start3A = tpu.memref_slice %arg5[%arg0, %mul3A_32] : memref<2x10240xf32, #tpu.memory_space<hbm>> -> memref<1x640xf32, #tpu.memory_space<hbm>>
      %dma_start3A_33 = tpu.memref_squeeze %dma_start3A : memref<1x640xf32, #tpu.memory_space<hbm>> -> memref<640xf32, #tpu.memory_space<hbm>>
      %dma_start3A_34 = tpu.memref_slice %arg17[%mul3A_32] : memref<10240xf32, #tpu.memory_space<vmem_shared>> -> memref<640xf32, #tpu.memory_space<vmem_shared>>
      tpu.enqueue_dma source(%dma_start3A_34 : memref<640xf32, #tpu.memory_space<vmem_shared>>) target(%dma_start3A_33 : memref<640xf32, #tpu.memory_space<hbm>>) target_semaphore(%run_scoped3A : memref<!tpu.dma_semaphore, #tpu.memory_space<semaphore_mem>>)
      %dma_wait3A_35 = tpu.memref_slice %arg5[%arg0, %mul3A_32] : memref<2x10240xf32, #tpu.memory_space<hbm>> -> memref<1x640xf32, #tpu.memory_space<hbm>>
      %dma_wait3A_36 = tpu.memref_squeeze %dma_wait3A_35 : memref<1x640xf32, #tpu.memory_space<hbm>> -> memref<640xf32, #tpu.memory_space<hbm>>
      %dma_wait3A_37 = tpu.memref_slice %arg17[%mul3A_32] : memref<10240xf32, #tpu.memory_space<vmem_shared>> -> memref<640xf32, #tpu.memory_space<vmem_shared>>
      tpu.wait_dma2 semaphore(%run_scoped3A : memref<!tpu.dma_semaphore, #tpu.memory_space<semaphore_mem>>) src(%dma_wait3A_37 : memref<640xf32, #tpu.memory_space<vmem_shared>>) dst(%dma_wait3A_36 : memref<640xf32, #tpu.memory_space<hbm>>)
      tpu.yield
    }) : () -> ()
    return
  }
}

#map = affine_map<(d0, d1) -> (0)>
#map1 = affine_map<(d0, d1) -> (0, 0)>
#map2 = affine_map<(d0, d1) -> (0, 0, 0)>
module attributes {stable_mosaic.version = 14 : i64} {
  func.func @_main_body(%arg0: i32, %arg1: i32, %arg2: memref<320000xi32, #tpu.memory_space<hbm>>, %arg3: memref<320000xi32, #tpu.memory_space<hbm>>, %arg4: memref<10000x128xf32, #tpu.memory_space<hbm>>, %arg5: memref<2x10240x128xf32, #tpu.memory_space<hbm>>, %arg6: memref<10000xi32, #tpu.memory_space<vmem>>, %arg7: memref<5040xi32, #tpu.memory_space<vmem>>, %arg8: memref<80xi32, #tpu.memory_space<vmem>>, %arg9: memref<80xi32, #tpu.memory_space<vmem>>, %arg10: memref<80xi32, #tpu.memory_space<vmem>>, %arg11: memref<80x128xf32, #tpu.memory_space<vmem>>, %arg12: memref<80x128xf32, #tpu.memory_space<vmem>>, %arg13: memref<80x128xf32, #tpu.memory_space<vmem>>, %arg14: memref<10240x128xf32, #tpu.memory_space<vmem_shared>>, %arg15: memref<!tpu.dma_semaphore, #tpu.memory_space<semaphore_mem>>, %arg16: memref<!tpu.dma_semaphore, #tpu.memory_space<semaphore_mem>>, %arg17: memref<!tpu.dma_semaphore, #tpu.memory_space<semaphore_mem>>, %arg18: memref<!tpu.dma_semaphore, #tpu.memory_space<semaphore_mem>>, %arg19: memref<!tpu.dma_semaphore, #tpu.memory_space<semaphore_mem>>, %arg20: memref<!tpu.dma_semaphore, #tpu.memory_space<semaphore_mem>>) attributes {dimension_semantics = [#tpu.dimension_semantics<core_parallel>, #tpu.dimension_semantics<subcore_parallel>], iteration_bounds = array<i64: 2, 16>, scalar_prefetch = 0 : i64, scratch_operands = 15 : i64, tpu.core_type = #tpu.core_type<sc_vector_subcore>, window_params = [{transform_indices = #map}, {transform_indices = #map}, {transform_indices = #map1}, {transform_indices = #map2}]} {
    %mul3A = arith.constant 2 : i32
    %mul3A_0 = arith.muli %arg1, %mul3A : i32
    %add3A = arith.addi %mul3A_0, %arg0 : i32
    %mul3A_1 = arith.constant 10000 : i32
    %mul3A_2 = arith.muli %add3A, %mul3A_1 : i32
    "tpu.region"() ({
      %run_scoped3A = tpu.sem_alloc : memref<!tpu.dma_semaphore, #tpu.memory_space<semaphore_mem>>
      %dma_start3A_36 = tpu.memref_slice %arg2[%mul3A_2] : memref<320000xi32, #tpu.memory_space<hbm>> -> memref<10000xi32, #tpu.memory_space<hbm>>
      %dma_start3A_37 = tpu.memref_slice %arg2[%mul3A_2] : memref<320000xi32, #tpu.memory_space<hbm>> -> memref<10000xi32, #tpu.memory_space<hbm>>
      tpu.enqueue_dma source(%dma_start3A_37 : memref<10000xi32, #tpu.memory_space<hbm>>) target(%arg6 : memref<10000xi32, #tpu.memory_space<vmem>>) target_semaphore(%run_scoped3A : memref<!tpu.dma_semaphore, #tpu.memory_space<semaphore_mem>>)
      %dma_wait3A_38 = tpu.memref_slice %arg2[%mul3A_2] : memref<320000xi32, #tpu.memory_space<hbm>> -> memref<10000xi32, #tpu.memory_space<hbm>>
      %dma_wait3A_39 = tpu.memref_slice %arg2[%mul3A_2] : memref<320000xi32, #tpu.memory_space<hbm>> -> memref<10000xi32, #tpu.memory_space<hbm>>
      tpu.wait_dma2 semaphore(%run_scoped3A : memref<!tpu.dma_semaphore, #tpu.memory_space<semaphore_mem>>) src(%dma_wait3A_39 : memref<10000xi32, #tpu.memory_space<hbm>>) dst(%arg6 : memref<10000xi32, #tpu.memory_space<vmem>>)
      tpu.yield
    }) : () -> ()
    %mul3A_3 = arith.constant 10000 : i32
    %mul3A_4 = arith.muli %add3A, %mul3A_3 : i32
    "tpu.region"() ({
      %run_scoped3A = tpu.sem_alloc : memref<!tpu.dma_semaphore, #tpu.memory_space<semaphore_mem>>
      %dma_start3A_36 = tpu.memref_slice %arg3[%mul3A_4] : memref<320000xi32, #tpu.memory_space<hbm>> -> memref<5040xi32, #tpu.memory_space<hbm>>
      %dma_start3A_37 = tpu.memref_slice %arg3[%mul3A_4] : memref<320000xi32, #tpu.memory_space<hbm>> -> memref<5040xi32, #tpu.memory_space<hbm>>
      tpu.enqueue_dma source(%dma_start3A_37 : memref<5040xi32, #tpu.memory_space<hbm>>) target(%arg7 : memref<5040xi32, #tpu.memory_space<vmem>>) target_semaphore(%run_scoped3A : memref<!tpu.dma_semaphore, #tpu.memory_space<semaphore_mem>>)
      %dma_wait3A_38 = tpu.memref_slice %arg3[%mul3A_4] : memref<320000xi32, #tpu.memory_space<hbm>> -> memref<5040xi32, #tpu.memory_space<hbm>>
      %dma_wait3A_39 = tpu.memref_slice %arg3[%mul3A_4] : memref<320000xi32, #tpu.memory_space<hbm>> -> memref<5040xi32, #tpu.memory_space<hbm>>
      tpu.wait_dma2 semaphore(%run_scoped3A : memref<!tpu.dma_semaphore, #tpu.memory_space<semaphore_mem>>) src(%dma_wait3A_39 : memref<5040xi32, #tpu.memory_space<hbm>>) dst(%arg7 : memref<5040xi32, #tpu.memory_space<vmem>>)
      tpu.yield
    }) : () -> ()
    %scan3A = arith.constant 0 : i32
    %scan3A_5 = arith.constant 80 : i32
    %scan3A_6 = arith.addi %scan3A, %scan3A_5 : i32
    %scan3A_7 = arith.constant 1 : i32
    scf.for %scan3A_36 = %scan3A to %scan3A_6 step %scan3A_7  : i32 {
      %scan3A_37 = arith.constant 0 : i32
      %scan3A_38 = arith.constant 8 : i32
      %scan3A_39 = arith.addi %scan3A_37, %scan3A_38 : i32
      %scan3A_40 = arith.constant 1 : i32
      scf.for %scan3A_42 = %scan3A_37 to %scan3A_39 step %scan3A_40  : i32 {
        %broadcast_in_dim3A = arith.constant 0.000000e+00 : f32
        %broadcast_in_dim3A_43 = vector.broadcast %broadcast_in_dim3A : f32 to vector<16xf32>
        %mul3A_44 = arith.constant 16 : i32
        %mul3A_45 = arith.muli %scan3A_42, %mul3A_44 : i32
        %swap3A = arith.index_cast %scan3A_36 : i32 to index
        %swap3A_46 = arith.index_cast %mul3A_45 : i32 to index
        %swap3A_47 = tpu.vector_load %arg11[%swap3A, %swap3A_46] {strides = array<i32>} : memref<80x128xf32, #tpu.memory_space<vmem>>, vector<1x16xf32>,
        %swap3A_48 = vector.shape_cast %swap3A_47 : vector<1x16xf32> to vector<16xf32>
        %swap3A_49 = vector.shape_cast %broadcast_in_dim3A_43 : vector<16xf32> to vector<1x16xf32>
        tpu.vector_store %arg11[%swap3A, %swap3A_46], %swap3A_49 {strides = array<i32>} : memref<80x128xf32, #tpu.memory_space<vmem>>, vector<1x16xf32>,
      }
      %scan3A_41 = arith.constant 8 : i32
    }
    %scan3A_8 = arith.constant 80 : i32
    %scan3A_9 = arith.constant 0 : i32
    %scan3A_10 = arith.constant 8 : i32
    %scan3A_11 = arith.addi %scan3A_9, %scan3A_10 : i32
    %scan3A_12 = arith.constant 1 : i32
    scf.for %scan3A_36 = %scan3A_9 to %scan3A_11 step %scan3A_12  : i32 {
      %mul3A_37 = arith.constant 640 : i32
      %mul3A_38 = arith.muli %arg1, %mul3A_37 : i32
      %mul3A_39 = arith.constant 80 : i32
      %mul3A_40 = arith.muli %scan3A_36, %mul3A_39 : i32
      %add3A_41 = arith.addi %mul3A_38, %mul3A_40 : i32
      "tpu.region"() ({
        %run_scoped3A = tpu.sem_alloc : memref<!tpu.dma_semaphore, #tpu.memory_space<semaphore_mem>>
        %dma_start3A_42 = arith.constant 0 : i32
        %dma_start3A_43 = tpu.memref_slice %arg14[%add3A_41, %dma_start3A_42] : memref<10240x128xf32, #tpu.memory_space<vmem_shared>> -> memref<80x128xf32, #tpu.memory_space<vmem_shared>>
        %dma_start3A_44 = arith.constant 0 : i32
        %dma_start3A_45 = tpu.memref_slice %arg14[%add3A_41, %dma_start3A_44] : memref<10240x128xf32, #tpu.memory_space<vmem_shared>> -> memref<80x128xf32, #tpu.memory_space<vmem_shared>>
        tpu.enqueue_dma source(%arg11 : memref<80x128xf32, #tpu.memory_space<vmem>>) target(%dma_start3A_45 : memref<80x128xf32, #tpu.memory_space<vmem_shared>>) target_semaphore(%run_scoped3A : memref<!tpu.dma_semaphore, #tpu.memory_space<semaphore_mem>>)
        %dma_wait3A_46 = arith.constant 0 : i32
        %dma_wait3A_47 = tpu.memref_slice %arg14[%add3A_41, %dma_wait3A_46] : memref<10240x128xf32, #tpu.memory_space<vmem_shared>> -> memref<80x128xf32, #tpu.memory_space<vmem_shared>>
        %dma_wait3A_48 = arith.constant 0 : i32
        %dma_wait3A_49 = tpu.memref_slice %arg14[%add3A_41, %dma_wait3A_48] : memref<10240x128xf32, #tpu.memory_space<vmem_shared>> -> memref<80x128xf32, #tpu.memory_space<vmem_shared>>
        tpu.wait_dma2 semaphore(%run_scoped3A : memref<!tpu.dma_semaphore, #tpu.memory_space<semaphore_mem>>) src(%arg11 : memref<80x128xf32, #tpu.memory_space<vmem>>) dst(%dma_wait3A_49 : memref<80x128xf32, #tpu.memory_space<vmem_shared>>)
        tpu.yield
      }) : () -> ()
    }
    %scan3A_13 = arith.constant 8 : i32
    %barrier3A = arith.constant 0 : index
    tpu.barrier barrier_id(%barrier3A)
    %dma_start3A = arith.constant 0 : i32
    %dma_start3A_14 = tpu.memref_slice %arg6[%dma_start3A] : memref<10000xi32, #tpu.memory_space<vmem>> -> memref<80xi32, #tpu.memory_space<vmem>>
    %dma_start3A_15 = arith.constant 0 : i32
    %dma_start3A_16 = arith.constant 0 : i32
    %dma_start3A_17 = tpu.memref_slice %arg4[%dma_start3A_15, %dma_start3A_16] : memref<10000x128xf32, #tpu.memory_space<hbm>> -> memref<10000x128xf32, #tpu.memory_space<hbm>>
    tpu.enqueue_indirect_dma source(%dma_start3A_17 : memref<10000x128xf32, #tpu.memory_space<hbm>>) target(%arg11 : memref<80x128xf32, #tpu.memory_space<vmem>>) offsets(%dma_start3A_14 : memref<80xi32, #tpu.memory_space<vmem>>) semaphore(%arg15 : memref<!tpu.dma_semaphore, #tpu.memory_space<semaphore_mem>>)
    %dma_start3A_18 = arith.constant 80 : i32
    %dma_start3A_19 = tpu.memref_slice %arg6[%dma_start3A_18] : memref<10000xi32, #tpu.memory_space<vmem>> -> memref<80xi32, #tpu.memory_space<vmem>>
    %dma_start3A_20 = arith.constant 0 : i32
    %dma_start3A_21 = arith.constant 0 : i32
    %dma_start3A_22 = tpu.memref_slice %arg4[%dma_start3A_20, %dma_start3A_21] : memref<10000x128xf32, #tpu.memory_space<hbm>> -> memref<10000x128xf32, #tpu.memory_space<hbm>>
    tpu.enqueue_indirect_dma source(%dma_start3A_22 : memref<10000x128xf32, #tpu.memory_space<hbm>>) target(%arg12 : memref<80x128xf32, #tpu.memory_space<vmem>>) offsets(%dma_start3A_19 : memref<80xi32, #tpu.memory_space<vmem>>) semaphore(%arg16 : memref<!tpu.dma_semaphore, #tpu.memory_space<semaphore_mem>>)
    %scan3A_23 = arith.constant 0 : i32
    %scan3A_24 = arith.constant 42 : i32
    %scan3A_25 = arith.addi %scan3A_23, %scan3A_24 : i32
    %scan3A_26 = arith.constant 1 : i32
    scf.for %scan3A_36 = %scan3A_23 to %scan3A_25 step %scan3A_26  : i32 {
      %mul3A_37 = arith.constant 3 : i32
      %mul3A_38 = arith.muli %mul3A_37, %scan3A_36 : i32
      %lt3A = arith.constant 125 : i32
      %lt3A_39 = arith.cmpi slt, %mul3A_38, %lt3A : i32
      %convert_element_type3A = arith.extui %lt3A_39 : i1 to i32
      %cond3A = arith.constant 0 : i32
      %cond3A_40 = arith.cmpi ne, %convert_element_type3A, %cond3A : i32
      scf.if %cond3A_40 {
        %eq3A = arith.constant 63 : i32
        %eq3A_55 = arith.cmpi eq, %mul3A_38, %eq3A : i32
        %convert_element_type3A_56 = arith.extui %eq3A_55 : i1 to i32
        %cond3A_57 = arith.constant 0 : i32
        %cond3A_58 = arith.cmpi ne, %convert_element_type3A_56, %cond3A_57 : i32
        scf.if %cond3A_58 {
          %mul3A_127 = arith.constant 10000 : i32
          %mul3A_128 = arith.muli %add3A, %mul3A_127 : i32
          %add3A_129 = arith.constant 5040 : i32
          %add3A_130 = arith.addi %mul3A_128, %add3A_129 : i32
          "tpu.region"() ({
            %run_scoped3A = tpu.sem_alloc : memref<!tpu.dma_semaphore, #tpu.memory_space<semaphore_mem>>
            %dma_start3A_131 = arith.constant 0 : i32
            %dma_start3A_132 = tpu.memref_slice %arg7[%dma_start3A_131] : memref<5040xi32, #tpu.memory_space<vmem>> -> memref<4960xi32, #tpu.memory_space<vmem>>
            %dma_start3A_133 = tpu.memref_slice %arg3[%add3A_130] : memref<320000xi32, #tpu.memory_space<hbm>> -> memref<4960xi32, #tpu.memory_space<hbm>>
            %dma_start3A_134 = arith.constant 0 : i32
            %dma_start3A_135 = tpu.memref_slice %arg7[%dma_start3A_134] : memref<5040xi32, #tpu.memory_space<vmem>> -> memref<4960xi32, #tpu.memory_space<vmem>>
            %dma_start3A_136 = tpu.memref_slice %arg3[%add3A_130] : memref<320000xi32, #tpu.memory_space<hbm>> -> memref<4960xi32, #tpu.memory_space<hbm>>
            tpu.enqueue_dma source(%dma_start3A_136 : memref<4960xi32, #tpu.memory_space<hbm>>) target(%dma_start3A_135 : memref<4960xi32, #tpu.memory_space<vmem>>) target_semaphore(%run_scoped3A : memref<!tpu.dma_semaphore, #tpu.memory_space<semaphore_mem>>)
            %dma_wait3A_137 = arith.constant 0 : i32
            %dma_wait3A_138 = tpu.memref_slice %arg7[%dma_wait3A_137] : memref<5040xi32, #tpu.memory_space<vmem>> -> memref<4960xi32, #tpu.memory_space<vmem>>
            %dma_wait3A_139 = tpu.memref_slice %arg3[%add3A_130] : memref<320000xi32, #tpu.memory_space<hbm>> -> memref<4960xi32, #tpu.memory_space<hbm>>
            %dma_wait3A_140 = arith.constant 0 : i32
            %dma_wait3A_141 = tpu.memref_slice %arg7[%dma_wait3A_140] : memref<5040xi32, #tpu.memory_space<vmem>> -> memref<4960xi32, #tpu.memory_space<vmem>>
            %dma_wait3A_142 = tpu.memref_slice %arg3[%add3A_130] : memref<320000xi32, #tpu.memory_space<hbm>> -> memref<4960xi32, #tpu.memory_space<hbm>>
            tpu.wait_dma2 semaphore(%run_scoped3A : memref<!tpu.dma_semaphore, #tpu.memory_space<semaphore_mem>>) src(%dma_wait3A_142 : memref<4960xi32, #tpu.memory_space<hbm>>) dst(%dma_wait3A_141 : memref<4960xi32, #tpu.memory_space<vmem>>)
            tpu.yield
          }) : () -> ()
        } else {
        }
        %mul3A_59 = arith.constant 80 : i32
        %mul3A_60 = arith.muli %mul3A_38, %mul3A_59 : i32
        %dma_wait3A_61 = tpu.memref_slice %arg6[%mul3A_60] : memref<10000xi32, #tpu.memory_space<vmem>> -> memref<80xi32, #tpu.memory_space<vmem>>
        %dma_wait3A_62 = arith.constant 0 : i32
        %dma_wait3A_63 = arith.constant 0 : i32
        %dma_wait3A_64 = tpu.memref_slice %arg4[%dma_wait3A_62, %dma_wait3A_63] : memref<10000x128xf32, #tpu.memory_space<hbm>> -> memref<10000x128xf32, #tpu.memory_space<hbm>>
        tpu.wait_indirect_dma semaphore(%arg15 : memref<!tpu.dma_semaphore, #tpu.memory_space<semaphore_mem>>) src(%dma_wait3A_64 : memref<10000x128xf32, #tpu.memory_space<hbm>>) dst(%arg11 : memref<80x128xf32, #tpu.memory_space<vmem>>)
        %lt3A_65 = arith.constant 63 : i32
        %lt3A_66 = arith.cmpi slt, %mul3A_38, %lt3A_65 : i32
        %sub3A = arith.constant 63 : i32
        %sub3A_67 = arith.subi %mul3A_38, %sub3A : i32
        %select_n3A = arith.select %lt3A_66, %mul3A_38, %sub3A_67 : i32
        %mul3A_68 = arith.constant 80 : i32
        %mul3A_69 = arith.muli %select_n3A, %mul3A_68 : i32
        %add3A_70 = arith.constant 0 : i32
        %add3A_71 = arith.addi %mul3A_69, %add3A_70 : i32
        %get3A = arith.index_cast %add3A_71 : i32 to index
        %get3A_72 = tpu.vector_load %arg7[%get3A] {strides = array<i32>} : memref<5040xi32, #tpu.memory_space<vmem>>, vector<16xi32>,
        %get3A_73 = vector.shape_cast %get3A_72 : vector<16xi32> to vector<16xi32>
        %swap3A = arith.constant 0 : index
        %swap3A_74 = tpu.vector_load %arg8[%swap3A] {strides = array<i32>} : memref<80xi32, #tpu.memory_space<vmem>>, vector<16xi32>,
        %swap3A_75 = vector.shape_cast %swap3A_74 : vector<16xi32> to vector<16xi32>
        %swap3A_76 = vector.shape_cast %get3A_73 : vector<16xi32> to vector<16xi32>
        tpu.vector_store %arg8[%swap3A], %swap3A_76 {strides = array<i32>} : memref<80xi32, #tpu.memory_space<vmem>>, vector<16xi32>,
        %add3A_77 = arith.constant 16 : i32
        %add3A_78 = arith.addi %mul3A_69, %add3A_77 : i32
        %get3A_79 = arith.index_cast %add3A_78 : i32 to index
        %get3A_80 = tpu.vector_load %arg7[%get3A_79] {strides = array<i32>} : memref<5040xi32, #tpu.memory_space<vmem>>, vector<16xi32>,
        %get3A_81 = vector.shape_cast %get3A_80 : vector<16xi32> to vector<16xi32>
        %swap3A_82 = arith.constant 16 : index
        %swap3A_83 = tpu.vector_load %arg8[%swap3A_82] {strides = array<i32>} : memref<80xi32, #tpu.memory_space<vmem>>, vector<16xi32>,
        %swap3A_84 = vector.shape_cast %swap3A_83 : vector<16xi32> to vector<16xi32>
        %swap3A_85 = vector.shape_cast %get3A_81 : vector<16xi32> to vector<16xi32>
        tpu.vector_store %arg8[%swap3A_82], %swap3A_85 {strides = array<i32>} : memref<80xi32, #tpu.memory_space<vmem>>, vector<16xi32>,
        %add3A_86 = arith.constant 32 : i32
        %add3A_87 = arith.addi %mul3A_69, %add3A_86 : i32
        %get3A_88 = arith.index_cast %add3A_87 : i32 to index
        %get3A_89 = tpu.vector_load %arg7[%get3A_88] {strides = array<i32>} : memref<5040xi32, #tpu.memory_space<vmem>>, vector<16xi32>,
        %get3A_90 = vector.shape_cast %get3A_89 : vector<16xi32> to vector<16xi32>
        %swap3A_91 = arith.constant 32 : index
        %swap3A_92 = tpu.vector_load %arg8[%swap3A_91] {strides = array<i32>} : memref<80xi32, #tpu.memory_space<vmem>>, vector<16xi32>,
        %swap3A_93 = vector.shape_cast %swap3A_92 : vector<16xi32> to vector<16xi32>
        %swap3A_94 = vector.shape_cast %get3A_90 : vector<16xi32> to vector<16xi32>
        tpu.vector_store %arg8[%swap3A_91], %swap3A_94 {strides = array<i32>} : memref<80xi32, #tpu.memory_space<vmem>>, vector<16xi32>,
        %add3A_95 = arith.constant 48 : i32
        %add3A_96 = arith.addi %mul3A_69, %add3A_95 : i32
        %get3A_97 = arith.index_cast %add3A_96 : i32 to index
        %get3A_98 = tpu.vector_load %arg7[%get3A_97] {strides = array<i32>} : memref<5040xi32, #tpu.memory_space<vmem>>, vector<16xi32>,
        %get3A_99 = vector.shape_cast %get3A_98 : vector<16xi32> to vector<16xi32>
        %swap3A_100 = arith.constant 48 : index
        %swap3A_101 = tpu.vector_load %arg8[%swap3A_100] {strides = array<i32>} : memref<80xi32, #tpu.memory_space<vmem>>, vector<16xi32>,
        %swap3A_102 = vector.shape_cast %swap3A_101 : vector<16xi32> to vector<16xi32>
        %swap3A_103 = vector.shape_cast %get3A_99 : vector<16xi32> to vector<16xi32>
        tpu.vector_store %arg8[%swap3A_100], %swap3A_103 {strides = array<i32>} : memref<80xi32, #tpu.memory_space<vmem>>, vector<16xi32>,
        %add3A_104 = arith.constant 64 : i32
        %add3A_105 = arith.addi %mul3A_69, %add3A_104 : i32
        %get3A_106 = arith.index_cast %add3A_105 : i32 to index
        %get3A_107 = tpu.vector_load %arg7[%get3A_106] {strides = array<i32>} : memref<5040xi32, #tpu.memory_space<vmem>>, vector<16xi32>,
        %get3A_108 = vector.shape_cast %get3A_107 : vector<16xi32> to vector<16xi32>
        %swap3A_109 = arith.constant 64 : index
        %swap3A_110 = tpu.vector_load %arg8[%swap3A_109] {strides = array<i32>} : memref<80xi32, #tpu.memory_space<vmem>>, vector<16xi32>,
        %swap3A_111 = vector.shape_cast %swap3A_110 : vector<16xi32> to vector<16xi32>
        %swap3A_112 = vector.shape_cast %get3A_108 : vector<16xi32> to vector<16xi32>
        tpu.vector_store %arg8[%swap3A_109], %swap3A_112 {strides = array<i32>} : memref<80xi32, #tpu.memory_space<vmem>>, vector<16xi32>,
        %dma_start3A_113 = arith.constant 0 : i32
        %dma_start3A_114 = arith.constant 0 : i32
        %dma_start3A_115 = tpu.memref_slice %arg14[%dma_start3A_113, %dma_start3A_114] : memref<10240x128xf32, #tpu.memory_space<vmem_shared>> -> memref<10240x128xf32, #tpu.memory_space<vmem_shared>>
        tpu.enqueue_indirect_dma source(%arg11 : memref<80x128xf32, #tpu.memory_space<vmem>>) target(%dma_start3A_115 : memref<10240x128xf32, #tpu.memory_space<vmem_shared>>) offsets(%arg8 : memref<80xi32, #tpu.memory_space<vmem>>) semaphore(%arg18 : memref<!tpu.dma_semaphore, #tpu.memory_space<semaphore_mem>>) {add = true}
        %ge3A = arith.constant 1 : i32
        %ge3A_116 = arith.cmpi sge, %mul3A_38, %ge3A : i32
        %convert_element_type3A_117 = arith.extui %ge3A_116 : i1 to i32
        %cond3A_118 = arith.constant 0 : i32
        %cond3A_119 = arith.cmpi ne, %convert_element_type3A_117, %cond3A_118 : i32
        scf.if %cond3A_119 {
          %dma_wait3A_127 = arith.constant 0 : i32
          %dma_wait3A_128 = arith.constant 0 : i32
          %dma_wait3A_129 = tpu.memref_slice %arg14[%dma_wait3A_127, %dma_wait3A_128] : memref<10240x128xf32, #tpu.memory_space<vmem_shared>> -> memref<10240x128xf32, #tpu.memory_space<vmem_shared>>
          tpu.wait_indirect_dma semaphore(%arg20 : memref<!tpu.dma_semaphore, #tpu.memory_space<semaphore_mem>>) src(%arg11 : memref<80x128xf32, #tpu.memory_space<vmem>>) dst(%dma_wait3A_129 : memref<10240x128xf32, #tpu.memory_space<vmem_shared>>)
        } else {
        }
        %add3A_120 = arith.constant 2 : i32
        %add3A_121 = arith.addi %mul3A_38, %add3A_120 : i32
        %lt3A_122 = arith.constant 125 : i32
        %lt3A_123 = arith.cmpi slt, %add3A_121, %lt3A_122 : i32
        %convert_element_type3A_124 = arith.extui %lt3A_123 : i1 to i32
        %cond3A_125 = arith.constant 0 : i32
        %cond3A_126 = arith.cmpi ne, %convert_element_type3A_124, %cond3A_125 : i32
        scf.if %cond3A_126 {
          %add3A_127 = arith.constant 2 : i32
          %add3A_128 = arith.addi %mul3A_38, %add3A_127 : i32
          %mul3A_129 = arith.constant 80 : i32
          %mul3A_130 = arith.muli %add3A_128, %mul3A_129 : i32
          %dma_start3A_131 = tpu.memref_slice %arg6[%mul3A_130] : memref<10000xi32, #tpu.memory_space<vmem>> -> memref<80xi32, #tpu.memory_space<vmem>>
          %dma_start3A_132 = arith.constant 0 : i32
          %dma_start3A_133 = arith.constant 0 : i32
          %dma_start3A_134 = tpu.memref_slice %arg4[%dma_start3A_132, %dma_start3A_133] : memref<10000x128xf32, #tpu.memory_space<hbm>> -> memref<10000x128xf32, #tpu.memory_space<hbm>>
          tpu.enqueue_indirect_dma source(%dma_start3A_134 : memref<10000x128xf32, #tpu.memory_space<hbm>>) target(%arg13 : memref<80x128xf32, #tpu.memory_space<vmem>>) offsets(%dma_start3A_131 : memref<80xi32, #tpu.memory_space<vmem>>) semaphore(%arg17 : memref<!tpu.dma_semaphore, #tpu.memory_space<semaphore_mem>>)
        } else {
        }
      } else {
      }
      %add3A_41 = arith.constant 1 : i32
      %add3A_42 = arith.addi %mul3A_38, %add3A_41 : i32
      %lt3A_43 = arith.constant 125 : i32
      %lt3A_44 = arith.cmpi slt, %add3A_42, %lt3A_43 : i32
      %convert_element_type3A_45 = arith.extui %lt3A_44 : i1 to i32
      %cond3A_46 = arith.constant 0 : i32
      %cond3A_47 = arith.cmpi ne, %convert_element_type3A_45, %cond3A_46 : i32
      scf.if %cond3A_47 {
        %eq3A = arith.constant 63 : i32
        %eq3A_55 = arith.cmpi eq, %add3A_42, %eq3A : i32
        %convert_element_type3A_56 = arith.extui %eq3A_55 : i1 to i32
        %cond3A_57 = arith.constant 0 : i32
        %cond3A_58 = arith.cmpi ne, %convert_element_type3A_56, %cond3A_57 : i32
        scf.if %cond3A_58 {
          %mul3A_127 = arith.constant 10000 : i32
          %mul3A_128 = arith.muli %add3A, %mul3A_127 : i32
          %add3A_129 = arith.constant 5040 : i32
          %add3A_130 = arith.addi %mul3A_128, %add3A_129 : i32
          "tpu.region"() ({
            %run_scoped3A = tpu.sem_alloc : memref<!tpu.dma_semaphore, #tpu.memory_space<semaphore_mem>>
            %dma_start3A_131 = arith.constant 0 : i32
            %dma_start3A_132 = tpu.memref_slice %arg7[%dma_start3A_131] : memref<5040xi32, #tpu.memory_space<vmem>> -> memref<4960xi32, #tpu.memory_space<vmem>>
            %dma_start3A_133 = tpu.memref_slice %arg3[%add3A_130] : memref<320000xi32, #tpu.memory_space<hbm>> -> memref<4960xi32, #tpu.memory_space<hbm>>
            %dma_start3A_134 = arith.constant 0 : i32
            %dma_start3A_135 = tpu.memref_slice %arg7[%dma_start3A_134] : memref<5040xi32, #tpu.memory_space<vmem>> -> memref<4960xi32, #tpu.memory_space<vmem>>
            %dma_start3A_136 = tpu.memref_slice %arg3[%add3A_130] : memref<320000xi32, #tpu.memory_space<hbm>> -> memref<4960xi32, #tpu.memory_space<hbm>>
            tpu.enqueue_dma source(%dma_start3A_136 : memref<4960xi32, #tpu.memory_space<hbm>>) target(%dma_start3A_135 : memref<4960xi32, #tpu.memory_space<vmem>>) target_semaphore(%run_scoped3A : memref<!tpu.dma_semaphore, #tpu.memory_space<semaphore_mem>>)
            %dma_wait3A_137 = arith.constant 0 : i32
            %dma_wait3A_138 = tpu.memref_slice %arg7[%dma_wait3A_137] : memref<5040xi32, #tpu.memory_space<vmem>> -> memref<4960xi32, #tpu.memory_space<vmem>>
            %dma_wait3A_139 = tpu.memref_slice %arg3[%add3A_130] : memref<320000xi32, #tpu.memory_space<hbm>> -> memref<4960xi32, #tpu.memory_space<hbm>>
            %dma_wait3A_140 = arith.constant 0 : i32
            %dma_wait3A_141 = tpu.memref_slice %arg7[%dma_wait3A_140] : memref<5040xi32, #tpu.memory_space<vmem>> -> memref<4960xi32, #tpu.memory_space<vmem>>
            %dma_wait3A_142 = tpu.memref_slice %arg3[%add3A_130] : memref<320000xi32, #tpu.memory_space<hbm>> -> memref<4960xi32, #tpu.memory_space<hbm>>
            tpu.wait_dma2 semaphore(%run_scoped3A : memref<!tpu.dma_semaphore, #tpu.memory_space<semaphore_mem>>) src(%dma_wait3A_142 : memref<4960xi32, #tpu.memory_space<hbm>>) dst(%dma_wait3A_141 : memref<4960xi32, #tpu.memory_space<vmem>>)
            tpu.yield
          }) : () -> ()
        } else {
        }
        %mul3A_59 = arith.constant 80 : i32
        %mul3A_60 = arith.muli %add3A_42, %mul3A_59 : i32
        %dma_wait3A_61 = tpu.memref_slice %arg6[%mul3A_60] : memref<10000xi32, #tpu.memory_space<vmem>> -> memref<80xi32, #tpu.memory_space<vmem>>
        %dma_wait3A_62 = arith.constant 0 : i32
        %dma_wait3A_63 = arith.constant 0 : i32
        %dma_wait3A_64 = tpu.memref_slice %arg4[%dma_wait3A_62, %dma_wait3A_63] : memref<10000x128xf32, #tpu.memory_space<hbm>> -> memref<10000x128xf32, #tpu.memory_space<hbm>>
        tpu.wait_indirect_dma semaphore(%arg16 : memref<!tpu.dma_semaphore, #tpu.memory_space<semaphore_mem>>) src(%dma_wait3A_64 : memref<10000x128xf32, #tpu.memory_space<hbm>>) dst(%arg12 : memref<80x128xf32, #tpu.memory_space<vmem>>)
        %lt3A_65 = arith.constant 63 : i32
        %lt3A_66 = arith.cmpi slt, %add3A_42, %lt3A_65 : i32
        %sub3A = arith.constant 63 : i32
        %sub3A_67 = arith.subi %add3A_42, %sub3A : i32
        %select_n3A = arith.select %lt3A_66, %add3A_42, %sub3A_67 : i32
        %mul3A_68 = arith.constant 80 : i32
        %mul3A_69 = arith.muli %select_n3A, %mul3A_68 : i32
        %add3A_70 = arith.constant 0 : i32
        %add3A_71 = arith.addi %mul3A_69, %add3A_70 : i32
        %get3A = arith.index_cast %add3A_71 : i32 to index
        %get3A_72 = tpu.vector_load %arg7[%get3A] {strides = array<i32>} : memref<5040xi32, #tpu.memory_space<vmem>>, vector<16xi32>,
        %get3A_73 = vector.shape_cast %get3A_72 : vector<16xi32> to vector<16xi32>
        %swap3A = arith.constant 0 : index
        %swap3A_74 = tpu.vector_load %arg9[%swap3A] {strides = array<i32>} : memref<80xi32, #tpu.memory_space<vmem>>, vector<16xi32>,
        %swap3A_75 = vector.shape_cast %swap3A_74 : vector<16xi32> to vector<16xi32>
        %swap3A_76 = vector.shape_cast %get3A_73 : vector<16xi32> to vector<16xi32>
        tpu.vector_store %arg9[%swap3A], %swap3A_76 {strides = array<i32>} : memref<80xi32, #tpu.memory_space<vmem>>, vector<16xi32>,
        %add3A_77 = arith.constant 16 : i32
        %add3A_78 = arith.addi %mul3A_69, %add3A_77 : i32
        %get3A_79 = arith.index_cast %add3A_78 : i32 to index
        %get3A_80 = tpu.vector_load %arg7[%get3A_79] {strides = array<i32>} : memref<5040xi32, #tpu.memory_space<vmem>>, vector<16xi32>,
        %get3A_81 = vector.shape_cast %get3A_80 : vector<16xi32> to vector<16xi32>
        %swap3A_82 = arith.constant 16 : index
        %swap3A_83 = tpu.vector_load %arg9[%swap3A_82] {strides = array<i32>} : memref<80xi32, #tpu.memory_space<vmem>>, vector<16xi32>,
        %swap3A_84 = vector.shape_cast %swap3A_83 : vector<16xi32> to vector<16xi32>
        %swap3A_85 = vector.shape_cast %get3A_81 : vector<16xi32> to vector<16xi32>
        tpu.vector_store %arg9[%swap3A_82], %swap3A_85 {strides = array<i32>} : memref<80xi32, #tpu.memory_space<vmem>>, vector<16xi32>,
        %add3A_86 = arith.constant 32 : i32
        %add3A_87 = arith.addi %mul3A_69, %add3A_86 : i32
        %get3A_88 = arith.index_cast %add3A_87 : i32 to index
        %get3A_89 = tpu.vector_load %arg7[%get3A_88] {strides = array<i32>} : memref<5040xi32, #tpu.memory_space<vmem>>, vector<16xi32>,
        %get3A_90 = vector.shape_cast %get3A_89 : vector<16xi32> to vector<16xi32>
        %swap3A_91 = arith.constant 32 : index
        %swap3A_92 = tpu.vector_load %arg9[%swap3A_91] {strides = array<i32>} : memref<80xi32, #tpu.memory_space<vmem>>, vector<16xi32>,
        %swap3A_93 = vector.shape_cast %swap3A_92 : vector<16xi32> to vector<16xi32>
        %swap3A_94 = vector.shape_cast %get3A_90 : vector<16xi32> to vector<16xi32>
        tpu.vector_store %arg9[%swap3A_91], %swap3A_94 {strides = array<i32>} : memref<80xi32, #tpu.memory_space<vmem>>, vector<16xi32>,
        %add3A_95 = arith.constant 48 : i32
        %add3A_96 = arith.addi %mul3A_69, %add3A_95 : i32
        %get3A_97 = arith.index_cast %add3A_96 : i32 to index
        %get3A_98 = tpu.vector_load %arg7[%get3A_97] {strides = array<i32>} : memref<5040xi32, #tpu.memory_space<vmem>>, vector<16xi32>,
        %get3A_99 = vector.shape_cast %get3A_98 : vector<16xi32> to vector<16xi32>
        %swap3A_100 = arith.constant 48 : index
        %swap3A_101 = tpu.vector_load %arg9[%swap3A_100] {strides = array<i32>} : memref<80xi32, #tpu.memory_space<vmem>>, vector<16xi32>,
        %swap3A_102 = vector.shape_cast %swap3A_101 : vector<16xi32> to vector<16xi32>
        %swap3A_103 = vector.shape_cast %get3A_99 : vector<16xi32> to vector<16xi32>
        tpu.vector_store %arg9[%swap3A_100], %swap3A_103 {strides = array<i32>} : memref<80xi32, #tpu.memory_space<vmem>>, vector<16xi32>,
        %add3A_104 = arith.constant 64 : i32
        %add3A_105 = arith.addi %mul3A_69, %add3A_104 : i32
        %get3A_106 = arith.index_cast %add3A_105 : i32 to index
        %get3A_107 = tpu.vector_load %arg7[%get3A_106] {strides = array<i32>} : memref<5040xi32, #tpu.memory_space<vmem>>, vector<16xi32>,
        %get3A_108 = vector.shape_cast %get3A_107 : vector<16xi32> to vector<16xi32>
        %swap3A_109 = arith.constant 64 : index
        %swap3A_110 = tpu.vector_load %arg9[%swap3A_109] {strides = array<i32>} : memref<80xi32, #tpu.memory_space<vmem>>, vector<16xi32>,
        %swap3A_111 = vector.shape_cast %swap3A_110 : vector<16xi32> to vector<16xi32>
        %swap3A_112 = vector.shape_cast %get3A_108 : vector<16xi32> to vector<16xi32>
        tpu.vector_store %arg9[%swap3A_109], %swap3A_112 {strides = array<i32>} : memref<80xi32, #tpu.memory_space<vmem>>, vector<16xi32>,
        %dma_start3A_113 = arith.constant 0 : i32
        %dma_start3A_114 = arith.constant 0 : i32
        %dma_start3A_115 = tpu.memref_slice %arg14[%dma_start3A_113, %dma_start3A_114] : memref<10240x128xf32, #tpu.memory_space<vmem_shared>> -> memref<10240x128xf32, #tpu.memory_space<vmem_shared>>
        tpu.enqueue_indirect_dma source(%arg12 : memref<80x128xf32, #tpu.memory_space<vmem>>) target(%dma_start3A_115 : memref<10240x128xf32, #tpu.memory_space<vmem_shared>>) offsets(%arg9 : memref<80xi32, #tpu.memory_space<vmem>>) semaphore(%arg19 : memref<!tpu.dma_semaphore, #tpu.memory_space<semaphore_mem>>) {add = true}
        %ge3A = arith.constant 1 : i32
        %ge3A_116 = arith.cmpi sge, %add3A_42, %ge3A : i32
        %convert_element_type3A_117 = arith.extui %ge3A_116 : i1 to i32
        %cond3A_118 = arith.constant 0 : i32
        %cond3A_119 = arith.cmpi ne, %convert_element_type3A_117, %cond3A_118 : i32
        scf.if %cond3A_119 {
          %dma_wait3A_127 = arith.constant 0 : i32
          %dma_wait3A_128 = arith.constant 0 : i32
          %dma_wait3A_129 = tpu.memref_slice %arg14[%dma_wait3A_127, %dma_wait3A_128] : memref<10240x128xf32, #tpu.memory_space<vmem_shared>> -> memref<10240x128xf32, #tpu.memory_space<vmem_shared>>
          tpu.wait_indirect_dma semaphore(%arg18 : memref<!tpu.dma_semaphore, #tpu.memory_space<semaphore_mem>>) src(%arg12 : memref<80x128xf32, #tpu.memory_space<vmem>>) dst(%dma_wait3A_129 : memref<10240x128xf32, #tpu.memory_space<vmem_shared>>)
        } else {
        }
        %add3A_120 = arith.constant 2 : i32
        %add3A_121 = arith.addi %add3A_42, %add3A_120 : i32
        %lt3A_122 = arith.constant 125 : i32
        %lt3A_123 = arith.cmpi slt, %add3A_121, %lt3A_122 : i32
        %convert_element_type3A_124 = arith.extui %lt3A_123 : i1 to i32
        %cond3A_125 = arith.constant 0 : i32
        %cond3A_126 = arith.cmpi ne, %convert_element_type3A_124, %cond3A_125 : i32
        scf.if %cond3A_126 {
          %add3A_127 = arith.constant 2 : i32
          %add3A_128 = arith.addi %add3A_42, %add3A_127 : i32
          %mul3A_129 = arith.constant 80 : i32
          %mul3A_130 = arith.muli %add3A_128, %mul3A_129 : i32
          %dma_start3A_131 = tpu.memref_slice %arg6[%mul3A_130] : memref<10000xi32, #tpu.memory_space<vmem>> -> memref<80xi32, #tpu.memory_space<vmem>>
          %dma_start3A_132 = arith.constant 0 : i32
          %dma_start3A_133 = arith.constant 0 : i32
          %dma_start3A_134 = tpu.memref_slice %arg4[%dma_start3A_132, %dma_start3A_133] : memref<10000x128xf32, #tpu.memory_space<hbm>> -> memref<10000x128xf32, #tpu.memory_space<hbm>>
          tpu.enqueue_indirect_dma source(%dma_start3A_134 : memref<10000x128xf32, #tpu.memory_space<hbm>>) target(%arg11 : memref<80x128xf32, #tpu.memory_space<vmem>>) offsets(%dma_start3A_131 : memref<80xi32, #tpu.memory_space<vmem>>) semaphore(%arg15 : memref<!tpu.dma_semaphore, #tpu.memory_space<semaphore_mem>>)
        } else {
        }
      } else {
      }
      %add3A_48 = arith.constant 2 : i32
      %add3A_49 = arith.addi %mul3A_38, %add3A_48 : i32
      %lt3A_50 = arith.constant 125 : i32
      %lt3A_51 = arith.cmpi slt, %add3A_49, %lt3A_50 : i32
      %convert_element_type3A_52 = arith.extui %lt3A_51 : i1 to i32
      %cond3A_53 = arith.constant 0 : i32
      %cond3A_54 = arith.cmpi ne, %convert_element_type3A_52, %cond3A_53 : i32
      scf.if %cond3A_54 {
        %eq3A = arith.constant 63 : i32
        %eq3A_55 = arith.cmpi eq, %add3A_49, %eq3A : i32
        %convert_element_type3A_56 = arith.extui %eq3A_55 : i1 to i32
        %cond3A_57 = arith.constant 0 : i32
        %cond3A_58 = arith.cmpi ne, %convert_element_type3A_56, %cond3A_57 : i32
        scf.if %cond3A_58 {
          %mul3A_127 = arith.constant 10000 : i32
          %mul3A_128 = arith.muli %add3A, %mul3A_127 : i32
          %add3A_129 = arith.constant 5040 : i32
          %add3A_130 = arith.addi %mul3A_128, %add3A_129 : i32
          "tpu.region"() ({
            %run_scoped3A = tpu.sem_alloc : memref<!tpu.dma_semaphore, #tpu.memory_space<semaphore_mem>>
            %dma_start3A_131 = arith.constant 0 : i32
            %dma_start3A_132 = tpu.memref_slice %arg7[%dma_start3A_131] : memref<5040xi32, #tpu.memory_space<vmem>> -> memref<4960xi32, #tpu.memory_space<vmem>>
            %dma_start3A_133 = tpu.memref_slice %arg3[%add3A_130] : memref<320000xi32, #tpu.memory_space<hbm>> -> memref<4960xi32, #tpu.memory_space<hbm>>
            %dma_start3A_134 = arith.constant 0 : i32
            %dma_start3A_135 = tpu.memref_slice %arg7[%dma_start3A_134] : memref<5040xi32, #tpu.memory_space<vmem>> -> memref<4960xi32, #tpu.memory_space<vmem>>
            %dma_start3A_136 = tpu.memref_slice %arg3[%add3A_130] : memref<320000xi32, #tpu.memory_space<hbm>> -> memref<4960xi32, #tpu.memory_space<hbm>>
            tpu.enqueue_dma source(%dma_start3A_136 : memref<4960xi32, #tpu.memory_space<hbm>>) target(%dma_start3A_135 : memref<4960xi32, #tpu.memory_space<vmem>>) target_semaphore(%run_scoped3A : memref<!tpu.dma_semaphore, #tpu.memory_space<semaphore_mem>>)
            %dma_wait3A_137 = arith.constant 0 : i32
            %dma_wait3A_138 = tpu.memref_slice %arg7[%dma_wait3A_137] : memref<5040xi32, #tpu.memory_space<vmem>> -> memref<4960xi32, #tpu.memory_space<vmem>>
            %dma_wait3A_139 = tpu.memref_slice %arg3[%add3A_130] : memref<320000xi32, #tpu.memory_space<hbm>> -> memref<4960xi32, #tpu.memory_space<hbm>>
            %dma_wait3A_140 = arith.constant 0 : i32
            %dma_wait3A_141 = tpu.memref_slice %arg7[%dma_wait3A_140] : memref<5040xi32, #tpu.memory_space<vmem>> -> memref<4960xi32, #tpu.memory_space<vmem>>
            %dma_wait3A_142 = tpu.memref_slice %arg3[%add3A_130] : memref<320000xi32, #tpu.memory_space<hbm>> -> memref<4960xi32, #tpu.memory_space<hbm>>
            tpu.wait_dma2 semaphore(%run_scoped3A : memref<!tpu.dma_semaphore, #tpu.memory_space<semaphore_mem>>) src(%dma_wait3A_142 : memref<4960xi32, #tpu.memory_space<hbm>>) dst(%dma_wait3A_141 : memref<4960xi32, #tpu.memory_space<vmem>>)
            tpu.yield
          }) : () -> ()
        } else {
        }
        %mul3A_59 = arith.constant 80 : i32
        %mul3A_60 = arith.muli %add3A_49, %mul3A_59 : i32
        %dma_wait3A_61 = tpu.memref_slice %arg6[%mul3A_60] : memref<10000xi32, #tpu.memory_space<vmem>> -> memref<80xi32, #tpu.memory_space<vmem>>
        %dma_wait3A_62 = arith.constant 0 : i32
        %dma_wait3A_63 = arith.constant 0 : i32
        %dma_wait3A_64 = tpu.memref_slice %arg4[%dma_wait3A_62, %dma_wait3A_63] : memref<10000x128xf32, #tpu.memory_space<hbm>> -> memref<10000x128xf32, #tpu.memory_space<hbm>>
        tpu.wait_indirect_dma semaphore(%arg17 : memref<!tpu.dma_semaphore, #tpu.memory_space<semaphore_mem>>) src(%dma_wait3A_64 : memref<10000x128xf32, #tpu.memory_space<hbm>>) dst(%arg13 : memref<80x128xf32, #tpu.memory_space<vmem>>)
        %lt3A_65 = arith.constant 63 : i32
        %lt3A_66 = arith.cmpi slt, %add3A_49, %lt3A_65 : i32
        %sub3A = arith.constant 63 : i32
        %sub3A_67 = arith.subi %add3A_49, %sub3A : i32
        %select_n3A = arith.select %lt3A_66, %add3A_49, %sub3A_67 : i32
        %mul3A_68 = arith.constant 80 : i32
        %mul3A_69 = arith.muli %select_n3A, %mul3A_68 : i32
        %add3A_70 = arith.constant 0 : i32
        %add3A_71 = arith.addi %mul3A_69, %add3A_70 : i32
        %get3A = arith.index_cast %add3A_71 : i32 to index
        %get3A_72 = tpu.vector_load %arg7[%get3A] {strides = array<i32>} : memref<5040xi32, #tpu.memory_space<vmem>>, vector<16xi32>,
        %get3A_73 = vector.shape_cast %get3A_72 : vector<16xi32> to vector<16xi32>
        %swap3A = arith.constant 0 : index
        %swap3A_74 = tpu.vector_load %arg10[%swap3A] {strides = array<i32>} : memref<80xi32, #tpu.memory_space<vmem>>, vector<16xi32>,
        %swap3A_75 = vector.shape_cast %swap3A_74 : vector<16xi32> to vector<16xi32>
        %swap3A_76 = vector.shape_cast %get3A_73 : vector<16xi32> to vector<16xi32>
        tpu.vector_store %arg10[%swap3A], %swap3A_76 {strides = array<i32>} : memref<80xi32, #tpu.memory_space<vmem>>, vector<16xi32>,
        %add3A_77 = arith.constant 16 : i32
        %add3A_78 = arith.addi %mul3A_69, %add3A_77 : i32
        %get3A_79 = arith.index_cast %add3A_78 : i32 to index
        %get3A_80 = tpu.vector_load %arg7[%get3A_79] {strides = array<i32>} : memref<5040xi32, #tpu.memory_space<vmem>>, vector<16xi32>,
        %get3A_81 = vector.shape_cast %get3A_80 : vector<16xi32> to vector<16xi32>
        %swap3A_82 = arith.constant 16 : index
        %swap3A_83 = tpu.vector_load %arg10[%swap3A_82] {strides = array<i32>} : memref<80xi32, #tpu.memory_space<vmem>>, vector<16xi32>,
        %swap3A_84 = vector.shape_cast %swap3A_83 : vector<16xi32> to vector<16xi32>
        %swap3A_85 = vector.shape_cast %get3A_81 : vector<16xi32> to vector<16xi32>
        tpu.vector_store %arg10[%swap3A_82], %swap3A_85 {strides = array<i32>} : memref<80xi32, #tpu.memory_space<vmem>>, vector<16xi32>,
        %add3A_86 = arith.constant 32 : i32
        %add3A_87 = arith.addi %mul3A_69, %add3A_86 : i32
        %get3A_88 = arith.index_cast %add3A_87 : i32 to index
        %get3A_89 = tpu.vector_load %arg7[%get3A_88] {strides = array<i32>} : memref<5040xi32, #tpu.memory_space<vmem>>, vector<16xi32>,
        %get3A_90 = vector.shape_cast %get3A_89 : vector<16xi32> to vector<16xi32>
        %swap3A_91 = arith.constant 32 : index
        %swap3A_92 = tpu.vector_load %arg10[%swap3A_91] {strides = array<i32>} : memref<80xi32, #tpu.memory_space<vmem>>, vector<16xi32>,
        %swap3A_93 = vector.shape_cast %swap3A_92 : vector<16xi32> to vector<16xi32>
        %swap3A_94 = vector.shape_cast %get3A_90 : vector<16xi32> to vector<16xi32>
        tpu.vector_store %arg10[%swap3A_91], %swap3A_94 {strides = array<i32>} : memref<80xi32, #tpu.memory_space<vmem>>, vector<16xi32>,
        %add3A_95 = arith.constant 48 : i32
        %add3A_96 = arith.addi %mul3A_69, %add3A_95 : i32
        %get3A_97 = arith.index_cast %add3A_96 : i32 to index
        %get3A_98 = tpu.vector_load %arg7[%get3A_97] {strides = array<i32>} : memref<5040xi32, #tpu.memory_space<vmem>>, vector<16xi32>,
        %get3A_99 = vector.shape_cast %get3A_98 : vector<16xi32> to vector<16xi32>
        %swap3A_100 = arith.constant 48 : index
        %swap3A_101 = tpu.vector_load %arg10[%swap3A_100] {strides = array<i32>} : memref<80xi32, #tpu.memory_space<vmem>>, vector<16xi32>,
        %swap3A_102 = vector.shape_cast %swap3A_101 : vector<16xi32> to vector<16xi32>
        %swap3A_103 = vector.shape_cast %get3A_99 : vector<16xi32> to vector<16xi32>
        tpu.vector_store %arg10[%swap3A_100], %swap3A_103 {strides = array<i32>} : memref<80xi32, #tpu.memory_space<vmem>>, vector<16xi32>,
        %add3A_104 = arith.constant 64 : i32
        %add3A_105 = arith.addi %mul3A_69, %add3A_104 : i32
        %get3A_106 = arith.index_cast %add3A_105 : i32 to index
        %get3A_107 = tpu.vector_load %arg7[%get3A_106] {strides = array<i32>} : memref<5040xi32, #tpu.memory_space<vmem>>, vector<16xi32>,
        %get3A_108 = vector.shape_cast %get3A_107 : vector<16xi32> to vector<16xi32>
        %swap3A_109 = arith.constant 64 : index
        %swap3A_110 = tpu.vector_load %arg10[%swap3A_109] {strides = array<i32>} : memref<80xi32, #tpu.memory_space<vmem>>, vector<16xi32>,
        %swap3A_111 = vector.shape_cast %swap3A_110 : vector<16xi32> to vector<16xi32>
        %swap3A_112 = vector.shape_cast %get3A_108 : vector<16xi32> to vector<16xi32>
        tpu.vector_store %arg10[%swap3A_109], %swap3A_112 {strides = array<i32>} : memref<80xi32, #tpu.memory_space<vmem>>, vector<16xi32>,
        %dma_start3A_113 = arith.constant 0 : i32
        %dma_start3A_114 = arith.constant 0 : i32
        %dma_start3A_115 = tpu.memref_slice %arg14[%dma_start3A_113, %dma_start3A_114] : memref<10240x128xf32, #tpu.memory_space<vmem_shared>> -> memref<10240x128xf32, #tpu.memory_space<vmem_shared>>
        tpu.enqueue_indirect_dma source(%arg13 : memref<80x128xf32, #tpu.memory_space<vmem>>) target(%dma_start3A_115 : memref<10240x128xf32, #tpu.memory_space<vmem_shared>>) offsets(%arg10 : memref<80xi32, #tpu.memory_space<vmem>>) semaphore(%arg20 : memref<!tpu.dma_semaphore, #tpu.memory_space<semaphore_mem>>) {add = true}
        %ge3A = arith.constant 1 : i32
        %ge3A_116 = arith.cmpi sge, %add3A_49, %ge3A : i32
        %convert_element_type3A_117 = arith.extui %ge3A_116 : i1 to i32
        %cond3A_118 = arith.constant 0 : i32
        %cond3A_119 = arith.cmpi ne, %convert_element_type3A_117, %cond3A_118 : i32
        scf.if %cond3A_119 {
          %dma_wait3A_127 = arith.constant 0 : i32
          %dma_wait3A_128 = arith.constant 0 : i32
          %dma_wait3A_129 = tpu.memref_slice %arg14[%dma_wait3A_127, %dma_wait3A_128] : memref<10240x128xf32, #tpu.memory_space<vmem_shared>> -> memref<10240x128xf32, #tpu.memory_space<vmem_shared>>
          tpu.wait_indirect_dma semaphore(%arg19 : memref<!tpu.dma_semaphore, #tpu.memory_space<semaphore_mem>>) src(%arg13 : memref<80x128xf32, #tpu.memory_space<vmem>>) dst(%dma_wait3A_129 : memref<10240x128xf32, #tpu.memory_space<vmem_shared>>)
        } else {
        }
        %add3A_120 = arith.constant 2 : i32
        %add3A_121 = arith.addi %add3A_49, %add3A_120 : i32
        %lt3A_122 = arith.constant 125 : i32
        %lt3A_123 = arith.cmpi slt, %add3A_121, %lt3A_122 : i32
        %convert_element_type3A_124 = arith.extui %lt3A_123 : i1 to i32
        %cond3A_125 = arith.constant 0 : i32
        %cond3A_126 = arith.cmpi ne, %convert_element_type3A_124, %cond3A_125 : i32
        scf.if %cond3A_126 {
          %add3A_127 = arith.constant 2 : i32
          %add3A_128 = arith.addi %add3A_49, %add3A_127 : i32
          %mul3A_129 = arith.constant 80 : i32
          %mul3A_130 = arith.muli %add3A_128, %mul3A_129 : i32
          %dma_start3A_131 = tpu.memref_slice %arg6[%mul3A_130] : memref<10000xi32, #tpu.memory_space<vmem>> -> memref<80xi32, #tpu.memory_space<vmem>>
          %dma_start3A_132 = arith.constant 0 : i32
          %dma_start3A_133 = arith.constant 0 : i32
          %dma_start3A_134 = tpu.memref_slice %arg4[%dma_start3A_132, %dma_start3A_133] : memref<10000x128xf32, #tpu.memory_space<hbm>> -> memref<10000x128xf32, #tpu.memory_space<hbm>>
          tpu.enqueue_indirect_dma source(%dma_start3A_134 : memref<10000x128xf32, #tpu.memory_space<hbm>>) target(%arg12 : memref<80x128xf32, #tpu.memory_space<vmem>>) offsets(%dma_start3A_131 : memref<80xi32, #tpu.memory_space<vmem>>) semaphore(%arg16 : memref<!tpu.dma_semaphore, #tpu.memory_space<semaphore_mem>>)
        } else {
        }
      } else {
      }
    }
    %scan3A_27 = arith.constant 42 : i32
    %dma_wait3A = arith.constant 0 : i32
    %dma_wait3A_28 = arith.constant 0 : i32
    %dma_wait3A_29 = tpu.memref_slice %arg14[%dma_wait3A, %dma_wait3A_28] : memref<10240x128xf32, #tpu.memory_space<vmem_shared>> -> memref<10240x128xf32, #tpu.memory_space<vmem_shared>>
    tpu.wait_indirect_dma semaphore(%arg19 : memref<!tpu.dma_semaphore, #tpu.memory_space<semaphore_mem>>) src(%arg12 : memref<80x128xf32, #tpu.memory_space<vmem>>) dst(%dma_wait3A_29 : memref<10240x128xf32, #tpu.memory_space<vmem_shared>>)
    %barrier3A_30 = arith.constant 0 : index
    tpu.barrier barrier_id(%barrier3A_30)
    %scan3A_31 = arith.constant 0 : i32
    %scan3A_32 = arith.constant 5 : i32
    %scan3A_33 = arith.addi %scan3A_31, %scan3A_32 : i32
    %scan3A_34 = arith.constant 1 : i32
    scf.for %scan3A_36 = %scan3A_31 to %scan3A_33 step %scan3A_34  : i32 {
      %mul3A_37 = arith.constant 640 : i32
      %mul3A_38 = arith.muli %arg1, %mul3A_37 : i32
      %mul3A_39 = arith.constant 128 : i32
      %mul3A_40 = arith.muli %scan3A_36, %mul3A_39 : i32
      %add3A_41 = arith.addi %mul3A_38, %mul3A_40 : i32
      "tpu.region"() ({
        %run_scoped3A = tpu.sem_alloc : memref<!tpu.dma_semaphore, #tpu.memory_space<semaphore_mem>>
        %dma_start3A_42 = arith.constant 0 : i32
        %dma_start3A_43 = tpu.memref_slice %arg5[%arg0, %add3A_41, %dma_start3A_42] : memref<2x10240x128xf32, #tpu.memory_space<hbm>> -> memref<1x128x128xf32, #tpu.memory_space<hbm>>
        %dma_start3A_44 = tpu.memref_squeeze %dma_start3A_43 : memref<1x128x128xf32, #tpu.memory_space<hbm>> -> memref<128x128xf32, #tpu.memory_space<hbm>>
        %dma_start3A_45 = arith.constant 0 : i32
        %dma_start3A_46 = tpu.memref_slice %arg14[%add3A_41, %dma_start3A_45] : memref<10240x128xf32, #tpu.memory_space<vmem_shared>> -> memref<128x128xf32, #tpu.memory_space<vmem_shared>>
        tpu.enqueue_dma source(%dma_start3A_46 : memref<128x128xf32, #tpu.memory_space<vmem_shared>>) target(%dma_start3A_44 : memref<128x128xf32, #tpu.memory_space<hbm>>) target_semaphore(%run_scoped3A : memref<!tpu.dma_semaphore, #tpu.memory_space<semaphore_mem>>)
        %dma_wait3A_47 = arith.constant 0 : i32
        %dma_wait3A_48 = tpu.memref_slice %arg5[%arg0, %add3A_41, %dma_wait3A_47] : memref<2x10240x128xf32, #tpu.memory_space<hbm>> -> memref<1x128x128xf32, #tpu.memory_space<hbm>>
        %dma_wait3A_49 = tpu.memref_squeeze %dma_wait3A_48 : memref<1x128x128xf32, #tpu.memory_space<hbm>> -> memref<128x128xf32, #tpu.memory_space<hbm>>
        %dma_wait3A_50 = arith.constant 0 : i32
        %dma_wait3A_51 = tpu.memref_slice %arg14[%add3A_41, %dma_wait3A_50] : memref<10240x128xf32, #tpu.memory_space<vmem_shared>> -> memref<128x128xf32, #tpu.memory_space<vmem_shared>>
        tpu.wait_dma2 semaphore(%run_scoped3A : memref<!tpu.dma_semaphore, #tpu.memory_space<semaphore_mem>>) src(%dma_wait3A_51 : memref<128x128xf32, #tpu.memory_space<vmem_shared>>) dst(%dma_wait3A_49 : memref<128x128xf32, #tpu.memory_space<hbm>>)
        tpu.yield
      }) : () -> ()
    }
    %scan3A_35 = arith.constant 5 : i32
    return
  }
}

module attributes {stable_mosaic.version = 14 : i64} {
  func.func @_prescale_body(%arg0: i32, %arg1: memref<1000x128xf32, #tpu.memory_space<vmem>>, %arg2: memref<2x1000x1xf32, #tpu.memory_space<vmem>>, %arg3: memref<1000x128xf32, #tpu.memory_space<vmem>>) attributes {dimension_semantics = [#tpu.dimension_semantics<arbitrary>], iteration_bounds = array<i64: 10>, scalar_prefetch = 0 : i64, scratch_operands = 0 : i64, tpu.core_type = #tpu.core_type<tc>, window_params = [{transform_indices = @transform_0, window_bounds = array<i64: 1000, 128>}, {transform_indices = @transform_1, window_bounds = array<i64: 2, 1000, 1>}, {transform_indices = @transform_2, window_bounds = array<i64: 1000, 128>}]} {
    %get3A = arith.constant 0 : index
    %get3A_0 = arith.constant 0 : index
    %get3A_1 = arith.constant 0 : index
    %get3A_2 = vector.load %arg2[%get3A, %get3A_0, %get3A_1] : memref<2x1000x1xf32, #tpu.memory_space<vmem>>, vector<1x1000x1xf32>
    %get3A_3 = vector.shape_cast %get3A_2 : vector<1x1000x1xf32> to vector<1000x1xf32>
    %get3A_4 = arith.constant 1 : index
    %get3A_5 = arith.constant 0 : index
    %get3A_6 = arith.constant 0 : index
    %get3A_7 = vector.load %arg2[%get3A_4, %get3A_5, %get3A_6] : memref<2x1000x1xf32, #tpu.memory_space<vmem>>, vector<1x1000x1xf32>
    %get3A_8 = vector.shape_cast %get3A_7 : vector<1x1000x1xf32> to vector<1000x1xf32>
    %add3A = arith.addf %get3A_3, %get3A_8 : vector<1000x1xf32>
    %jit3A = arith.constant 1.000000e+00 : f32
    %max3A = vector.broadcast %jit3A : f32 to vector<1000x1xf32>
    %max3A_9 = arith.maximumf %max3A, %add3A : vector<1000x1xf32>
    %rsqrt3A = math.rsqrt %max3A_9 : vector<1000x1xf32>
    %get3A_10 = arith.constant 0 : index
    %get3A_11 = arith.constant 0 : index
    %get3A_12 = vector.load %arg1[%get3A_10, %get3A_11] : memref<1000x128xf32, #tpu.memory_space<vmem>>, vector<1000x128xf32>
    %mul3A = vector.broadcast %rsqrt3A : vector<1000x1xf32> to vector<1000x128xf32>
    %mul3A_13 = arith.mulf %get3A_12, %mul3A : vector<1000x128xf32>
    %swap3A = arith.constant 0 : index
    %swap3A_14 = arith.constant 0 : index
    %swap3A_15 = vector.load %arg3[%swap3A, %swap3A_14] : memref<1000x128xf32, #tpu.memory_space<vmem>>, vector<1000x128xf32>
    tpu.vector_store %arg3[%swap3A, %swap3A_14], %mul3A_13 {strides = array<i32>} : memref<1000x128xf32, #tpu.memory_space<vmem>>, vector<1000x128xf32>,
    return
  }
  func.func @transform_0(%arg0: i32) -> (i32, i32) {
    %c0_i32 = arith.constant 0 : i32
    %c0_i32_0 = arith.constant 0 : i32
    return %arg0, %c0_i32 : i32, i32
  }
  func.func @transform_1(%arg0: i32) -> (i32, i32, i32) {
    %c0_i32 = arith.constant 0 : i32
    %c0_i32_0 = arith.constant 0 : i32
    %c0_i32_1 = arith.constant 0 : i32
    return %c0_i32, %arg0, %c0_i32_0 : i32, i32, i32
  }
  func.func @transform_2(%arg0: i32) -> (i32, i32) {
    %c0_i32 = arith.constant 0 : i32
    %c0_i32_0 = arith.constant 0 : i32
    return %arg0, %c0_i32 : i32, i32
  }
}

module attributes {stable_mosaic.version = 14 : i64} {
  func.func @_final_body(%arg0: i32, %arg1: memref<2x1000x128xf32, #tpu.memory_space<vmem>>, %arg2: memref<2x1000x1xf32, #tpu.memory_space<vmem>>, %arg3: memref<1000x128xf32, #tpu.memory_space<vmem>>) attributes {dimension_semantics = [#tpu.dimension_semantics<arbitrary>], iteration_bounds = array<i64: 10>, scalar_prefetch = 0 : i64, scratch_operands = 0 : i64, tpu.core_type = #tpu.core_type<tc>, window_params = [{transform_indices = @transform_0, window_bounds = array<i64: 2, 1000, 128>}, {transform_indices = @transform_1, window_bounds = array<i64: 2, 1000, 1>}, {transform_indices = @transform_2, window_bounds = array<i64: 1000, 128>}]} {
    %get3A = arith.constant 0 : index
    %get3A_0 = arith.constant 0 : index
    %get3A_1 = arith.constant 0 : index
    %get3A_2 = vector.load %arg2[%get3A, %get3A_0, %get3A_1] : memref<2x1000x1xf32, #tpu.memory_space<vmem>>, vector<1x1000x1xf32>
    %get3A_3 = vector.shape_cast %get3A_2 : vector<1x1000x1xf32> to vector<1000x1xf32>
    %get3A_4 = arith.constant 1 : index
    %get3A_5 = arith.constant 0 : index
    %get3A_6 = arith.constant 0 : index
    %get3A_7 = vector.load %arg2[%get3A_4, %get3A_5, %get3A_6] : memref<2x1000x1xf32, #tpu.memory_space<vmem>>, vector<1x1000x1xf32>
    %get3A_8 = vector.shape_cast %get3A_7 : vector<1x1000x1xf32> to vector<1000x1xf32>
    %add3A = arith.addf %get3A_3, %get3A_8 : vector<1000x1xf32>
    %jit3A = arith.constant 1.000000e+00 : f32
    %max3A = vector.broadcast %jit3A : f32 to vector<1000x1xf32>
    %max3A_9 = arith.maximumf %max3A, %add3A : vector<1000x1xf32>
    %rsqrt3A = math.rsqrt %max3A_9 : vector<1000x1xf32>
    %get3A_10 = arith.constant 0 : index
    %get3A_11 = arith.constant 0 : index
    %get3A_12 = arith.constant 0 : index
    %get3A_13 = vector.load %arg1[%get3A_10, %get3A_11, %get3A_12] : memref<2x1000x128xf32, #tpu.memory_space<vmem>>, vector<1x1000x128xf32>
    %get3A_14 = vector.shape_cast %get3A_13 : vector<1x1000x128xf32> to vector<1000x128xf32>
    %get3A_15 = arith.constant 1 : index
    %get3A_16 = arith.constant 0 : index
    %get3A_17 = arith.constant 0 : index
    %get3A_18 = vector.load %arg1[%get3A_15, %get3A_16, %get3A_17] : memref<2x1000x128xf32, #tpu.memory_space<vmem>>, vector<1x1000x128xf32>
    %get3A_19 = vector.shape_cast %get3A_18 : vector<1x1000x128xf32> to vector<1000x128xf32>
    %add3A_20 = arith.addf %get3A_14, %get3A_19 : vector<1000x128xf32>
    %mul3A = vector.broadcast %rsqrt3A : vector<1000x1xf32> to vector<1000x128xf32>
    %mul3A_21 = arith.mulf %add3A_20, %mul3A : vector<1000x128xf32>
    %swap3A = arith.constant 0 : index
    %swap3A_22 = arith.constant 0 : index
    %swap3A_23 = vector.load %arg3[%swap3A, %swap3A_22] : memref<1000x128xf32, #tpu.memory_space<vmem>>, vector<1000x128xf32>
    tpu.vector_store %arg3[%swap3A, %swap3A_22], %mul3A_21 {strides = array<i32>} : memref<1000x128xf32, #tpu.memory_space<vmem>>, vector<1000x128xf32>,
    return
  }
  func.func @transform_0(%arg0: i32) -> (i32, i32, i32) {
    %c0_i32 = arith.constant 0 : i32
    %c0_i32_0 = arith.constant 0 : i32
    %c0_i32_1 = arith.constant 0 : i32
    return %c0_i32, %arg0, %c0_i32_0 : i32, i32, i32
  }
  func.func @transform_1(%arg0: i32) -> (i32, i32, i32) {
    %c0_i32 = arith.constant 0 : i32
    %c0_i32_0 = arith.constant 0 : i32
    %c0_i32_1 = arith.constant 0 : i32
    return %c0_i32, %arg0, %c0_i32_0 : i32, i32, i32
  }
  func.func @transform_2(%arg0: i32) -> (i32, i32) {
    %c0_i32 = arith.constant 0 : i32
    %c0_i32_0 = arith.constant 0 : i32
    return %arg0, %c0_i32 : i32, i32
  }
}

</mosaic_0001>

<sc_bundles>
// kernel: kernel.6.cloned.1.call-start
scs
__scs_entry_jumppad:
0x0: {  	(pc) =	sbr.rel $0x88, $3  }
0x1: {  	(tag) =	ssettag $0x0;
	lr =	simm.s32 $0x1  }
0x2: {  	[smem:$0x3F9F] =	sst lr;
	_ =	strace $0xD0000000  }
0x3: {  	_ = 	snop  }
0x4: {  	_ = 	snop  }
0x5: {  	_ = 	snop  }
0x6: {  	_ = 	snop  }
0x7: {  	_ = 	snop  }
__scs_overlays_trampoline_lowered:
0x8: {  	[smem:$0x3FAE] =	sst s0  }
0x9: {  	[smem:$0x3FAF] =	sst s1  }
0xa: {  	[smem:$0x3FB0] =	sst s2  }
0xb: {  	[smem:$0x3FB1] =	sst s3  }
0xc: {  	[smem:$0x3FB2] =	sst s4  }
0xd: {  	[smem:$0x3FB3] =	sst s5  }
0xe: {  	[smem:$0x3FB4] =	sst s6  }
0xf: {  	[smem:$0x3FB5] =	sst s7  }
0x10: {  	[smem:$0x3FB6] =	sst s8  }
0x11: {  	[smem:$0x3FB7] =	sst s9;
	s0 =	simm.s32 @!p0 $0x0  }
0x12: {  	s1 =	sld [smem:$0x3F9D];
	s0 =	simm.s32 @p0 $0x1  }
0x13: {  	[smem:$0x3FB8] =	sst s0;
	s0 =	simm.s32 @!p1 $0x0  }
0x14: {  	s2 =	sld [smem:$0x3F9C];
	s0 =	simm.s32 @p1 $0x1  }
0x15: {  	[smem:$0x3FB9] =	sst s0;
	s0 =	simm.s32 @!p2 $0x0  }
0x16: {  	s3 =	sld [smem:$0x3FDB];
	s0 =	simm.s32 @p2 $0x1  }
0x17: {  	s4 =	simm.s32 $0x1BF5;
	[smem:$0x3FBB] =	sst s0  }
0x18: {  	s0 =	sld [smem:$0x3F9E];
	_ =	swait.ge [sflag:s4], $0x0  }
0x19: {  	s7 =	sld [smem:$0x3F9F]  }
0x1a: {  	s8 =	sadd.s32 $0xFFFFE003, lr  }
0x1b: {  	s9 =	sadd.s32 $0xFFFFFEF7, lr;
	s5 =	simm.s32 $0xFFFFFFFF;
	p2 =	slt.u32 s8, $0xFFFFF086  }
0x1c: {  	p1 =	slt.u32 s9, $0xF7A;
	s5 =	simm.s32 @!p2 $0x0  }
0x1d: {  	s5 =	simm.s32 @p1 $0x1;
	p0 =	seq.s32 s7, s2  }
0x1e: {  	s7 =	smul.u32 @!p0 $0xF7A, s2;
	p2 =	seq.s32 @!p0 s5, $0x0  }
0x1f: {  	s9 =	smul.u32 $0xF7A, s1;
	s8 =	simm.s32 @!p0 $0x1BF5;
	p2 =	por !p2, p0  }
0x20: {  	[sflag:s8] =	ssyncset.s32 @!p0 $0xFFFFF086;
	s6 =	sadd.s32 @!p0 s3, s7;
	s7 =	simm.s32 @!p0 $0x108  }
0x21: {  	s3 =	sadd.s32 s3, s9;
	s6 =	sadd.s32 @!p0 $0x88, s6;
	s7 =	simm.s32 @p2 $0x1082  }
0x22: {  	[simem:s7], [sflag:s8] =	dma.local @!p0 [hbm:s6], $0xF7A  }
0x23: {  	s9 =	sor.u32 $0xD0000000, s2;
	s6 =	simm.s32 $0x108;
	_ =	swait.ge @!p0 [sflag:s8], $0x0  }
0x24: {  	s3 =	sadd.s32 $0x88, s3;
	s6 =	simm.s32 @!p1 $0x1082;
	[sflag:s4] =	ssyncset.s32 $0xFFFFF086  }
0x25: {  	[simem:s6], [sflag:s4] =	dma.local [hbm:s3], $0xF7A  }
0x26: {  	[smem:$0x3F9F] =	sst s1;
	(tag) =	ssettag s2;
	_ =	strace s9  }
0x27: {  	s1 =	sld [smem:$0x3FAF]  }
0x28: {  	s2 =	sld [smem:$0x3FB0]  }
0x29: {  	s4 =	sld [smem:$0x3FB2]  }
0x2a: {  	p0 =	seq.s32 s5, $0x0;
	s5 =	sld [smem:$0x3FB3]  }
0x2b: {  	s6 =	sld [smem:$0x3FB4]  }
0x2c: {  	s7 =	sld [smem:$0x3FB5]  }
0x2d: {  	s3 =	simm.s32 $0x108;
	s8 =	sld [smem:$0x3FB6]  }
0x2e: {  	s3 =	simm.s32 @!p0 $0x1082;
	s9 =	sld [smem:$0x3FB7]  }
0x2f: {  	lr =	sadd.s32 s0, s3;
	s0 =	sld [smem:$0x3FAE]  }
0x30: {  	s3 =	sld [smem:$0x3FB1]  }
0x31: {  	[smem:$0x3FBA] =	sst s10  }
0x32: {  	s10 =	sld [smem:$0x3FB8];
	_ =	sdelay $0x3  }
0x33: {  	p0 =	seq.s32 s10, $0x1;
	s10 =	sld [smem:$0x3FBA];
	_ =	sdelay $0x3  }
0x34: {  	[smem:$0x3FBA] =	sst s10  }
0x35: {  	s10 =	sld [smem:$0x3FB9];
	_ =	sdelay $0x3  }
0x36: {  	p1 =	seq.s32 s10, $0x1;
	s10 =	sld [smem:$0x3FBA];
	_ =	sdelay $0x3  }
0x37: {  	[smem:$0x3FBA] =	sst s10  }
0x38: {  	s10 =	sld [smem:$0x3FBB]  }
0x39: {  	_ = 	snop;
	(pc) =	sbr.ind lr, $3  }
0x3a: {  	_ = 	snop  }
0x3b: {  	_ = 	snop  }
0x3c: {  	p2 =	seq.s32 s10, $0x1;
	s10 =	sld [smem:$0x3FBA]  }
0x3d: {  	_ =	shalt  }
0x3e: {  	_ =	shalt  }
0x3f: {  	_ =	shalt  }
0x40: {  	_ =	shalt  }
0x41: {  	_ =	shalt  }
0x42: {  	_ =	shalt  }
0x43: {  	_ =	shalt  }
0x44: {  	_ =	shalt  }
0x45: {  	_ =	shalt  }
0x46: {  	_ =	shalt  }
0x47: {  	_ =	shalt  }
0x48: {  	_ =	shalt  }
0x49: {  	_ =	shalt  }
0x4a: {  	_ =	shalt  }
0x4b: {  	_ =	shalt  }
0x4c: {  	_ =	shalt  }
0x4d: {  	_ =	shalt  }
0x4e: {  	_ =	shalt  }
0x4f: {  	_ =	shalt  }
0x50: {  	_ =	shalt  }
0x51: {  	_ =	shalt  }
0x52: {  	_ =	shalt  }
0x53: {  	_ =	shalt  }
0x54: {  	_ =	shalt  }
0x55: {  	_ =	shalt  }
0x56: {  	_ =	shalt  }
0x57: {  	_ =	shalt  }
0x58: {  	_ =	shalt  }
0x59: {  	_ =	shalt  }
0x5a: {  	_ =	shalt  }
0x5b: {  	_ =	shalt  }
0x5c: {  	_ =	shalt  }
0x5d: {  	_ =	shalt  }
0x5e: {  	_ =	shalt  }
0x5f: {  	_ =	shalt  }
0x60: {  	_ =	shalt  }
0x61: {  	_ =	shalt  }
0x62: {  	_ =	shalt  }
0x63: {  	_ =	shalt  }
0x64: {  	_ =	shalt  }
0x65: {  	_ =	shalt  }
0x66: {  	_ =	shalt  }
0x67: {  	_ =	shalt  }
0x68: {  	_ =	shalt  }
0x69: {  	_ =	shalt  }
0x6a: {  	_ =	shalt  }
0x6b: {  	_ =	shalt  }
0x6c: {  	_ =	shalt  }
0x6d: {  	_ =	shalt  }
0x6e: {  	_ =	shalt  }
0x6f: {  	_ =	shalt  }
0x70: {  	_ =	shalt  }
0x71: {  	_ =	shalt  }
0x72: {  	_ =	shalt  }
0x73: {  	_ =	shalt  }
0x74: {  	_ =	shalt  }
0x75: {  	_ =	shalt  }
0x76: {  	_ =	shalt  }
0x77: {  	_ =	shalt  }
0x78: {  	_ =	shalt  }
0x79: {  	_ =	shalt  }
0x7a: {  	_ =	shalt  }
0x7b: {  	_ =	shalt  }
0x7c: {  	_ =	shalt  }
0x7d: {  	_ =	shalt  }
0x7e: {  	_ =	shalt  }
0x7f: {  	_ =	shalt  }
0x80: {  	_ =	shalt  }
0x81: {  	_ =	shalt  }
0x82: {  	_ =	shalt  }
0x83: {  	_ =	shalt  }
0x84: {  	_ =	shalt  }
0x85: {  	_ =	shalt  }
0x86: {  	_ =	shalt  }
0x87: {  	_ =	shalt  }
.Lfunc_end0:
.L_simem_size_0:
called_computation_lowered:
.L_overlay_start_0:
0x88: {  	s2 =	sld [smem:$0x3FD9]  }
0x89: {  	s3 =	sld [smem:$0x3FFE];
	_ =	sdelay $0x1  }
0x8a: {  	s1 =	srdreg.scid  }
0x8b: {  	s0 =	sand.u32 $0x1, s1  }
0x8c: {  	s17 =	sshll.u32 s0, $0xA;
	s2 =	sadd.s32 s3, s2  }
0x8d: {  	s2 =	sadd.s32 s2, s17  }
0x8e: {  	[smem:$0x3FC6] =	sst s2  }
0x8f: {  	_ = 	snop  }
0x90: {  	s2 =	sld [smem:$0x3FD0];
	(tm) =	ssettm $0x1  }
0x91: {  	s18 =	sld [smem:$0x3FFB];
	_ =	sdelay $0x3  }
0x92: {  	_ =	strace s18  }
0x93: {  	s3 =	sld [smem:$0x3FFC];
	_ =	sdelay $0x3  }
0x94: {  	_ =	strace s3  }
0x95: {  	s3 =	sld [smem:$0x3FFD];
	_ =	sdelay $0x3  }
0x96: {  	_ =	strace s3  }
0x97: {  	_ =	strace $0x8FFFFFFF  }
0x98: {  	s19 =	sld [smem:$0x3FDB];
	_ =	sdelay $0x1  }
0x99: {  	s4 =	simm.s32 $_scs_section_size  }
0x9a: {  	s5 =	simm.s32 $_size__tile_overlayer_lowered;
	s6 =	simm.s32 $_tile_overlayer_lowered  }
0x9b: {  	s22 =	simm.s32 $0x1BFF;
	s21 =	sshll.u32 s6, $0x1;
	s3 =	sadd.s32 s4, s19  }
0x9c: {  	s7 =	simm.s32 $0x0;
	s20 =	sshll.u32 s5, $0x1;
	s5 =	sadd.s32 s21, s3  }
0x9d: {  	[timem:s7], [sflag:s22] =	dma.local [hbm:s5], s20  }
0x9e: {  	_ =	swait.ge [sflag:s22], s20  }
0x9f: {  	s4 =	ssub.s32 $0x0, s20;
	[sflag:s22] =	ssyncset.done $0x0  }
0xa0: {  	[sflag:s22] =	ssyncadd.s32 s4;
	_ =	sdelay $0x1  }
0xa1: {  	s23 =	simm.s32 $0x1B8B  }
0xa2: {  	_ =	swait.ge [sflag:s23], $0x1  }
0xa3: {  	[sflag:s23] =	ssyncset.done $0x0  }
0xa4: {  	s25 =	simm.s32 $0x1B8E;
	s24 =	sld [smem:$0x3FFE];
	[sflag:s23] =	ssyncadd.s32 $0xFFFFFFFF  }
0xa5: {  	s26 =	simm.s32 $execute0_lowered;
	[smem:$0x3FD2] =	sst s25  }
0xa6: {  	s5 =	sshll.u32 s26, $0x1;
	_ =	strace $0x80000046;
	[dreg:$0x1] =	wrdreg $0xFFFFFFFF  }
0xa7: {  	s28 =	simm.s32 $_size_execute0_lowered;
	s3 =	sadd.s32 s3, s5;
	[dreg:$0x0] =	wrdreg $0x0  }
0xa8: {  	s5 =	sshll.u32 s28, $0x1;
	[dreg:$0x2] =	wrdreg s3  }
0xa9: {  	[dreg:$0x3] =	wrdreg s5  }
0xaa: {  	[dreg:$0x4] =	wrdreg $0xC0  }
0xab: {  	_ =	task [dreg:s7], $0x5FFFF  }
0xac: {  	[dreg:$0x1] =	wrdreg $0xFFFFFFFF  }
0xad: {  	[dreg:$0x0] =	wrdreg $0x60  }
0xae: {  	[dreg:$0x2] =	wrdreg s24  }
0xaf: {  	[dreg:$0x3] =	wrdreg s2  }
0xb0: {  	[dreg:$0x4] =	wrdreg $0x55000  }
0xb1: {  	[dreg:$0x5] =	wrdreg $0x57800  }
0xb2: {  	[dreg:$0x6] =	wrdreg $0x9  }
0xb3: {  	_ =	task.clear_ibuf [dreg:s7], $0x7FFFF;
	_ =	strace $0x90000046  }
0xb4: {  	s29 =	simm.s32 $0x9;
	_ =	strace $0x80000048  }
0xb5: {  	_ =	swait.ge [sflag:s29], $0x1  }
0xb6: {  	[sflag:s29] =	ssyncadd.s32 $0xFFFFFFFF  }
0xb7: {  	_ =	strace $0x90000048  }
0xb8: {  	_ =	sfence  }
0xb9: {  	s30 =	sld [smem:$0x0];
	_ =	sdelay $0x2  }
0xba: {  	s31 =	sshll.u32 s1, $0xD;
	s1 =	sshrl.u32 s1, $0x2  }
0xbb: {  	s3 =	sand.u32 $0x4000, s31;
	s1 =	sadd.s32 s1, s30  }
0xbc: {  	s0 =	sor.u32 s3, s0;
	s1 =	sshll.u32 s1, $0x11  }
0xbd: {  	s0 =	sor.u32 s1, s0  }
0xbe: {  	s0 =	sadd.s32 $0x8F2B, s0  }
0xbf: {  	[sflag:s0] =	ssyncadd.remote.s32 $0x1  }
0xc0: {  	_ =	sfence.sel $0xFFFF  }
0xc1: {  	[dreg:$0x0] =	wrdreg $0xFFFFFFFF;
	(pc) =	sbr.abs _section_cstart, $3  }
0xc2: {  	[dreg:$0x1] =	wrdreg $0xFFFFFFFF  }
0xc3: {  	_ =	task.clear_ibuf [dreg:s7], $0x2FFFF;
	_ =	strace $0x9FFFFFFF  }
0xc4: {  	(tm) =	ssettm $0x7FFFFFFF  }
0xc5: {  	_ =	shalt  }
tec
execute0_lowered:
.L_overlay_start_1:
0x0: {  	(tag) =	ssettag $0x1  }
0x1: {  	s5 =	rddreg [dreg:$0x0]  }
0x2: {  	s9 =	rddreg [dreg:$0x1]  }
0x3: {  	s1 =	rddreg [dreg:$0x2]  }
0x4: {  	s2 =	rddreg [dreg:$0x3];
	s4 =	simm.s32 $0x0;
	s6 =	srdreg.scid  }
0x5: {  	s3 =	stileid.u32;
	s14 =	simm.s32 $0x5280;
	s15 =	simm.s32 $0x50  }
0x6: {  	s16 =	simm.s32 $0x4F00;
	s17 =	simm.s32 $0x5200;
	s18 =	simm.s32 $0x5080  }
0x7: {  	s19 =	simm.s32 $0x4F80;
	s20 =	simm.s32 $0x5100;
	s21 =	simm.s32 $0x1  }
0x8: {  	s23 =	simm.s32 $0x20;
	s24 =	simm.s32 $0x10;
	s25 =	simm.s32 $0x5000  }
0x9: {  	s26 =	simm.s32 $0x5180;
	s28 =	simm.s32 $0x0;
	[smem:$0x7FF] =	sst s4  }
0xa: {  	s6 =	sand.u32 $0x1, s6;
	s7 =	sshll.u32 s3, $0x1;
	s8 =	smul.u32 $0x500, s3  }
0xb: {  	s11 =	smul.u32 $0x280, s3;
	s22 =	sshll.u32 s3, $0x6;
	_ =	strace $0x80000047  }
0xc: {  	s7 =	sor.u32 s6, s7;
	s10 =	sshll.u32 s6, $0x7;
	s6 =	ssub.s32 $0x2, s6  }
0xd: {  	s22 =	sor.u32 $0x1C02, s22;
	s7 =	smul.u32 $0x4E2, s7;
	s8 =	sor.u32 s10, s8  }
.Ltmp0:
0xe: {  	s31 =	sshrl.u32 s6, $0x1;
	s10 =	sshrl.u32 s8, $0x3;
	(pc) =	sbr.rel .LBB2_1-.Ltmp0, $4  }
0xf: {  	s13 =	ssub.s32 s6, s31;
	s8 =	sadd.s32 s11, s2;
	s7 =	sadd.s32 s7, s5  }
0x10: {  	s12 =	sadd.s32 s10, s5;
	s9 =	sadd.s32 s9, s10;
	s5 =	sadd.s32 $0xB000, s7  }
0x11: {  	s6 =	sadd.s32 $0x1200, s7;
	s7 =	sadd.s32 s11, s1;
	s10 =	sadd.s32 $0x14E00, s12  }
0x12: {  	v0 =	vimm.f32 $1.000000000e+00;
	v1 =	vimm.f32 $0.0e+00;
	s11 =	smax.u32 s13, $0x1;
	s12 =	simm.s32 $0x2;
	s13 =	simm.s32 $0x2780  }
.LBB2_4:
0x13: {  	_ =	swait.ge [sflag:s21], $0x50  }
0x14: {  	[sflag:s21] =	ssyncset.done $0x0  }
0x15: {  	[sflag:s21] =	ssyncadd.s32 $0xFFFFFFB0  }
0x16: {  	_ =	swait.ge [sflag:s21], $0x50  }
0x17: {  	[sflag:s21] =	ssyncset.done $0x0  }
0x18: {  	[sflag:s21] =	ssyncadd.s32 $0xFFFFFFB0  }
0x19: {  	_ =	swait.ge [sflag:s21], $0x50  }
0x1a: {  	[sflag:s21] =	ssyncset.done $0x0  }
0x1b: {  	[sflag:s21] =	ssyncadd.s32 $0xFFFFFFB0  }
0x1c: {  	_ =	swait.ge [sflag:s21], $0x50  }
0x1d: {  	[sflag:s21] =	ssyncset.done $0x0  }
0x1e: {  	[sflag:s21] =	ssyncadd.s32 $0xFFFFFFB0  }
0x1f: {  	s0 =	sshrl.u32 s7, $0x3;
	[bflag:$0x0] =	sbarrier.arrive $0xFFFF  }
0x20: {  	[hbm:s9@s23], [sflag:s22] =	dma.strided [spmem:s0@s24], $0x50, s21, $0x10   }
0x21: {  	s28 =	sadd.s32 $0x1, s28;
	_ =	swait.ge [sflag:s12], $0x50  }
0x22: {  	p0 =	sne.s32 s28, s11;
	[sflag:s12] =	ssyncset.done $0x0  }
.Ltmp1:
0x23: {  	s31 =	sshrl.u32 s8, $0x3;
	[sflag:s12] =	ssyncadd.s32 $0xFFFFFFB0;
	(pc) =	sbr.rel @!p0 .LBB2_5-.Ltmp1, $4  }
0x24: {  	[hbm:s10@s23], [sflag:s22] =	dma.strided [spmem:s31@s24], $0x50, s21, $0x10   }
0x25: {  	_ =	swait.ge [sflag:s12], $0x50  }
0x26: {  	[sflag:s12] =	ssyncset.done $0x0  }
0x27: {  	[sflag:s12] =	ssyncadd.s32 $0xFFFFFFB0  }
.LBB2_1:
0x28: {  	[tilespmem:s4], [sflag:$0x2] =	stream.linear.gather [hbm4b:s5+s4], $0x2710, $0x38;
	[tilespmem:$0x5A00] =	vst v63  }
0x29: {  	_ =	swait.ge [sflag:s12], $0x2710  }
0x2a: {  	[sflag:s12] =	ssyncset.done $0x0  }
0x2b: {  	[sflag:s12] =	ssyncadd.s32 $0xFFFFD8F0  }
0x2c: {  	[tilespmem:s13], [sflag:$0x2] =	stream.linear.gather [hbm4b:s6+s4], $0x2710, $0x38;
	[tilespmem:$0x5A00] =	vst v63  }
0x2d: {  	_ =	swait.ge [sflag:s12], $0x2710  }
0x2e: {  	[sflag:s12] =	ssyncset.done $0x0  }
0x2f: {  	[sflag:s12] =	ssyncadd.s32 $0xFFFFD8F0  }
0x30: {  	[tilespmem:$0x5200] =	vst v0  }
0x31: {  	[tilespmem:$0x5210] =	vst v0  }
0x32: {  	[tilespmem:$0x5220] =	vst v0  }
0x33: {  	[tilespmem:$0x5230] =	vst v0  }
0x34: {  	[tilespmem:$0x5240] =	vst v0  }
0x35: {  	[tilespmem:$0x5280] =	vst v1  }
0x36: {  	[tilespmem:$0x5290] =	vst v1  }
0x37: {  	[tilespmem:$0x52A0] =	vst v1  }
0x38: {  	[tilespmem:$0x52B0] =	vst v1  }
0x39: {  	[tilespmem:$0x52C0] =	vst v1  }
0x3a: {  	[tilespmem:$0x52D0] =	vst v1  }
0x3b: {  	[tilespmem:$0x52E0] =	vst v1  }
0x3c: {  	[tilespmem:$0x52F0] =	vst v1  }
0x3d: {  	[tilespmem:$0x5300] =	vst v1  }
0x3e: {  	[tilespmem:$0x5310] =	vst v1  }
0x3f: {  	[tilespmem:$0x5320] =	vst v1  }
0x40: {  	[tilespmem:$0x5330] =	vst v1  }
0x41: {  	[tilespmem:$0x5340] =	vst v1  }
0x42: {  	[tilespmem:$0x5350] =	vst v1  }
0x43: {  	[tilespmem:$0x5360] =	vst v1  }
0x44: {  	[tilespmem:$0x5370] =	vst v1  }
0x45: {  	[tilespmem:$0x5380] =	vst v1  }
0x46: {  	[tilespmem:$0x5390] =	vst v1  }
0x47: {  	[tilespmem:$0x53A0] =	vst v1  }
0x48: {  	[tilespmem:$0x53B0] =	vst v1  }
0x49: {  	[tilespmem:$0x53C0] =	vst v1  }
0x4a: {  	[tilespmem:$0x53D0] =	vst v1  }
0x4b: {  	[tilespmem:$0x53E0] =	vst v1  }
0x4c: {  	[tilespmem:$0x53F0] =	vst v1  }
0x4d: {  	[tilespmem:$0x5400] =	vst v1  }
0x4e: {  	[tilespmem:$0x5410] =	vst v1  }
0x4f: {  	[tilespmem:$0x5420] =	vst v1  }
0x50: {  	[tilespmem:$0x5430] =	vst v1  }
0x51: {  	[tilespmem:$0x5440] =	vst v1  }
0x52: {  	[tilespmem:$0x5450] =	vst v1  }
0x53: {  	[tilespmem:$0x5460] =	vst v1  }
0x54: {  	[tilespmem:$0x5470] =	vst v1  }
0x55: {  	[tilespmem:$0x5480] =	vst v1  }
0x56: {  	[tilespmem:$0x5490] =	vst v1  }
0x57: {  	[tilespmem:$0x54A0] =	vst v1  }
0x58: {  	[tilespmem:$0x54B0] =	vst v1  }
0x59: {  	[tilespmem:$0x54C0] =	vst v1  }
0x5a: {  	[tilespmem:$0x54D0] =	vst v1  }
0x5b: {  	[tilespmem:$0x54E0] =	vst v1  }
0x5c: {  	[tilespmem:$0x54F0] =	vst v1  }
0x5d: {  	[spmem:s7] =	stream.linear.scatter [tilespmem:s14], [sflag:$0x2], $0x280, $0x38;
	[tilespmem:$0x5A00] =	vst v63  }
0x5e: {  	_ =	swait.ge [sflag:s12], $0x280  }
0x5f: {  	[sflag:s12] =	ssyncset.done $0x0  }
0x60: {  	[sflag:s12] =	ssyncadd.s32 $0xFFFFFD80  }
0x61: {  	[spmem:s8] =	stream.linear.scatter [tilespmem:s14], [sflag:$0x2], $0x280, $0x38;
	[tilespmem:$0x5A00] =	vst v63  }
0x62: {  	_ =	swait.ge [sflag:s12], $0x280  }
0x63: {  	[sflag:s12] =	ssyncset.done $0x0  }
0x64: {  	s29 =	simm.s32 $0x29;
	[sflag:s12] =	ssyncadd.s32 $0xFFFFFD80  }
0x65: {  	s30 =	simm.s32 $0x27F0;
	s31 =	simm.s32 $0x70;
	[bflag:$0x0] =	sbarrier.arrive $0xFFFF  }
.LBB2_2:
0x66: {  	v2 =	vld [tilespmem:s31+$0xFFFFFF90];
	_ =	sdelay $0x4  }
0x67: {  	[tilespmem:$0x4F00] =	vst v2  }
0x68: {  	v2 =	vld [tilespmem:s31+$0xFFFFFFA0];
	_ =	sdelay $0x4  }
0x69: {  	[tilespmem:$0x4F10] =	vst v2  }
0x6a: {  	v2 =	vld [tilespmem:s31+$0xFFFFFFB0];
	_ =	sdelay $0x4  }
0x6b: {  	[tilespmem:$0x4F20] =	vst v2  }
0x6c: {  	v2 =	vld [tilespmem:s31+$0xFFFFFFC0];
	_ =	sdelay $0x4  }
0x6d: {  	[tilespmem:$0x4F30] =	vst v2  }
0x6e: {  	v2 =	vld [tilespmem:s31+$0xFFFFFFD0];
	_ =	sdelay $0x4  }
0x6f: {  	[tilespmem:$0x4F40] =	vst v2  }
0x70: {  	v2 =	vld [tilespmem:s30+$0xFFFFFF90];
	_ =	sdelay $0x4  }
0x71: {  	[tilespmem:$0x5080] =	vst v2  }
0x72: {  	v2 =	vld [tilespmem:s30+$0xFFFFFFA0];
	_ =	sdelay $0x4  }
0x73: {  	[tilespmem:$0x5090] =	vst v2  }
0x74: {  	v2 =	vld [tilespmem:s30+$0xFFFFFFB0];
	_ =	sdelay $0x4  }
0x75: {  	[tilespmem:$0x50A0] =	vst v2  }
0x76: {  	v2 =	vld [tilespmem:s30+$0xFFFFFFC0];
	_ =	sdelay $0x4  }
0x77: {  	[tilespmem:$0x50B0] =	vst v2  }
0x78: {  	v2 =	vld [tilespmem:s30+$0xFFFFFFD0];
	_ =	sdelay $0x4  }
0x79: {  	p0 =	seq.s32 s29, $0x29;
	[tilespmem:$0x50C0] =	vst v2  }
0x7a: {  	[spmem:s1] =	stream.indirect.scatter.add.f32 [tilespmem:s17], [sflag:$0x1], $0x1, s16, s15, $0xb8;
	[tilespmem:$0x5A00] =	vst v63  }
0x7b: {  	s0 =	simm.s32 @!p0 $0x1  }
0x7c: {  	[spmem:s2] =	stream.indirect.scatter.add.f32 [tilespmem:s17], [sflag:$0x1], $0x1, s18, s15, $0xb8;
	[tilespmem:$0x5A00] =	vst v63  }
0x7d: {  	_ =	swait.ge @!p0 [sflag:s0], $0x50  }
0x7e: {  	[sflag:s0] =	ssyncset.done @!p0 $0x0  }
0x7f: {  	[sflag:s0] =	ssyncadd.s32 @!p0 $0xFFFFFFB0  }
0x80: {  	_ =	swait.ge @!p0 [sflag:s0], $0x50  }
0x81: {  	[sflag:s0] =	ssyncset.done @!p0 $0x0  }
0x82: {  	[sflag:s0] =	ssyncadd.s32 @!p0 $0xFFFFFFB0  }
0x83: {  	v2 =	vld [tilespmem:s31+$0xFFFFFFE0];
	_ =	sdelay $0x4  }
0x84: {  	[tilespmem:$0x4F80] =	vst v2  }
0x85: {  	v2 =	vld [tilespmem:s31+$0xFFFFFFF0];
	_ =	sdelay $0x4  }
0x86: {  	[tilespmem:$0x4F90] =	vst v2  }
0x87: {  	v2 =	vld [tilespmem:s31+$0x0];
	_ =	sdelay $0x4  }
0x88: {  	[tilespmem:$0x4FA0] =	vst v2  }
0x89: {  	v2 =	vld [tilespmem:s31+$0x10];
	_ =	sdelay $0x4  }
0x8a: {  	[tilespmem:$0x4FB0] =	vst v2  }
0x8b: {  	v2 =	vld [tilespmem:s31+$0x20];
	_ =	sdelay $0x4  }
0x8c: {  	[tilespmem:$0x4FC0] =	vst v2  }
0x8d: {  	v2 =	vld [tilespmem:s30+$0xFFFFFFE0];
	_ =	sdelay $0x4  }
0x8e: {  	[tilespmem:$0x5100] =	vst v2  }
0x8f: {  	v2 =	vld [tilespmem:s30+$0xFFFFFFF0];
	_ =	sdelay $0x4  }
0x90: {  	[tilespmem:$0x5110] =	vst v2  }
0x91: {  	v2 =	vld [tilespmem:s30+$0x0];
	_ =	sdelay $0x4  }
0x92: {  	[tilespmem:$0x5120] =	vst v2  }
0x93: {  	v2 =	vld [tilespmem:s30+$0x10];
	_ =	sdelay $0x4  }
0x94: {  	[tilespmem:$0x5130] =	vst v2  }
0x95: {  	v2 =	vld [tilespmem:s30+$0x20];
	_ =	sdelay $0x4  }
0x96: {  	[tilespmem:$0x5140] =	vst v2  }
0x97: {  	[spmem:s1] =	stream.indirect.scatter.add.f32 [tilespmem:s17], [sflag:$0x1], $0x1, s19, s15, $0xb8;
	[tilespmem:$0x5A00] =	vst v63  }
0x98: {  	p1 =	seq.s32 @!p0 s29, $0x0  }
0x99: {  	[spmem:s2] =	stream.indirect.scatter.add.f32 [tilespmem:s17], [sflag:$0x1], $0x1, s20, s15, $0xb8;
	[tilespmem:$0x5A00] =	vst v63  }
0x9a: {  	p1 =	por p0, !p1;
	_ =	swait.ge @!p0 [sflag:s0], $0x50  }
.Ltmp2:
0x9b: {  	[sflag:s0] =	ssyncset.done @!p0 $0x0;
	(pc) =	sbr.rel @!p1 .LBB2_4-.Ltmp2, $4  }
0x9c: {  	[sflag:s0] =	ssyncadd.s32 @!p0 $0xFFFFFFB0  }
0x9d: {  	_ =	swait.ge @!p0 [sflag:s0], $0x50  }
0x9e: {  	[sflag:s0] =	ssyncset.done @!p0 $0x0  }
0x9f: {  	[sflag:s0] =	ssyncadd.s32 @!p0 $0xFFFFFFB0  }
0xa0: {  	v2 =	vld [tilespmem:s31+$0x30];
	_ =	sdelay $0x4  }
0xa1: {  	[tilespmem:$0x5000] =	vst v2  }
0xa2: {  	v2 =	vld [tilespmem:s31+$0x40];
	_ =	sdelay $0x4  }
0xa3: {  	[tilespmem:$0x5010] =	vst v2  }
0xa4: {  	v2 =	vld [tilespmem:s31+$0x50];
	_ =	sdelay $0x4  }
0xa5: {  	[tilespmem:$0x5020] =	vst v2  }
0xa6: {  	v2 =	vld [tilespmem:s31+$0x60];
	_ =	sdelay $0x4  }
0xa7: {  	[tilespmem:$0x5030] =	vst v2  }
0xa8: {  	v2 =	vld [tilespmem:s31+$0x70];
	_ =	sdelay $0x4  }
0xa9: {  	[tilespmem:$0x5040] =	vst v2  }
0xaa: {  	v2 =	vld [tilespmem:s30+$0x30];
	_ =	sdelay $0x4  }
0xab: {  	[tilespmem:$0x5180] =	vst v2  }
0xac: {  	v2 =	vld [tilespmem:s30+$0x40];
	_ =	sdelay $0x4  }
0xad: {  	[tilespmem:$0x5190] =	vst v2  }
0xae: {  	v2 =	vld [tilespmem:s30+$0x50];
	_ =	sdelay $0x4  }
0xaf: {  	[tilespmem:$0x51A0] =	vst v2  }
0xb0: {  	v2 =	vld [tilespmem:s30+$0x60];
	_ =	sdelay $0x4  }
0xb1: {  	[tilespmem:$0x51B0] =	vst v2  }
0xb2: {  	v2 =	vld [tilespmem:s30+$0x70];
	_ =	sdelay $0x4  }
0xb3: {  	[tilespmem:$0x51C0] =	vst v2  }
0xb4: {  	[spmem:s1] =	stream.indirect.scatter.add.f32 [tilespmem:s17], [sflag:$0x1], $0x1, s25, s15, $0xb8;
	[tilespmem:$0x5A00] =	vst v63  }
0xb5: {  	_ = 	snop  }
0xb6: {  	[spmem:s2] =	stream.indirect.scatter.add.f32 [tilespmem:s17], [sflag:$0x1], $0x1, s26, s15, $0xb8;
	[tilespmem:$0x5A00] =	vst v63  }
0xb7: {  	_ =	swait.ge [sflag:s21], $0x50  }
.Ltmp3:
0xb8: {  	[sflag:s21] =	ssyncset.done $0x0;
	(pc) =	sbr.rel .LBB2_2-.Ltmp3, $4  }
0xb9: {  	[sflag:s21] =	ssyncadd.s32 $0xFFFFFFB0  }
0xba: {  	_ =	swait.ge [sflag:s21], $0x50  }
0xbb: {  	s29 =	sadd.s32 $0xFFFFFFFF, s29;
	[sflag:s21] =	ssyncset.done $0x0  }
0xbc: {  	s31 =	sadd.s32 $0xF0, s31;
	s30 =	sadd.s32 $0xF0, s30;
	[sflag:s21] =	ssyncadd.s32 $0xFFFFFFB0  }
.LBB2_5:
0xbd: {  	_ =	sfence.sel $0x180000  }
0xbe: {  	[bflag:$0x0] =	sbarrier.arrive $0xFFFF  }
0xbf: {  	_ =	strace $0x90000047  }
0xc0: {  	[bflag:$0x2] =	sbarrier.arrive $0xFFFF  }
0xc1: {  	p0 =	sne.s32 s3, $0x0;
	s0 =	rddreg [dreg:$0x4]  }
0xc2: {  	s0 =	sadd.s32 @!p0 $0x100000, s0  }
0xc3: {  	[sflag:s0] =	ssyncadd.tile.s32 @!p0 $0x1;
	_ =	shalt  }
.Lfunc_end2:
_tile_overlayer_lowered:
.L_overlay_start_2:
0xc4: {  	(tag) =	ssettag $0x2  }
0xc5: {  	s0 =	rddreg [dreg:$0x0];
	s2 =	stileid.u32  }
0xc6: {  	s1 =	rddreg [dreg:$0x1];
	p0 =	sne.s32 s2, $0x0  }
0xc7: {  	s3 =	rddreg [dreg:$0x2];
	[bflag:$0x3] =	sbarrier.arrive $0xFFFF;
	s2 =	simm.s32 @!p0 $0x1C02  }
0xc8: {  	[timem:s3], [sflag:s2] =	dma.local @!p0 [hbm:s0], s1  }
0xc9: {  	s0 =	simm.s32 @!p0 $0x2  }
0xca: {  	_ =	swait.ge @!p0 [sflag:s0], s1  }
0xcb: {  	s1 =	ssub.s32 @!p0 $0x0, s1;
	[sflag:s0] =	ssyncset.done @!p0 $0x0  }
0xcc: {  	[sflag:s0] =	ssyncadd.s32 @!p0 s1  }
0xcd: {  	[bflag:$0x3] =	sbarrier.arrive $0xFFFF  }
0xce: {  	_ =	shalt  }

// kernel: kernel.9.cloned.1.call-start
scs
__scs_entry_jumppad:
0x0: {  	(pc) =	sbr.rel $0x88, $3  }
0x1: {  	(tag) =	ssettag $0x0;
	lr =	simm.s32 $0x1  }
0x2: {  	[smem:$0x3F9F] =	sst lr;
	_ =	strace $0xD0000000  }
0x3: {  	_ = 	snop  }
0x4: {  	_ = 	snop  }
0x5: {  	_ = 	snop  }
0x6: {  	_ = 	snop  }
0x7: {  	_ = 	snop  }
__scs_overlays_trampoline_lowered:
0x8: {  	[smem:$0x3FAE] =	sst s0  }
0x9: {  	[smem:$0x3FAF] =	sst s1  }
0xa: {  	[smem:$0x3FB0] =	sst s2  }
0xb: {  	[smem:$0x3FB1] =	sst s3  }
0xc: {  	[smem:$0x3FB2] =	sst s4  }
0xd: {  	[smem:$0x3FB3] =	sst s5  }
0xe: {  	[smem:$0x3FB4] =	sst s6  }
0xf: {  	[smem:$0x3FB5] =	sst s7  }
0x10: {  	[smem:$0x3FB6] =	sst s8  }
0x11: {  	[smem:$0x3FB7] =	sst s9;
	s0 =	simm.s32 @!p0 $0x0  }
0x12: {  	s1 =	sld [smem:$0x3F9D];
	s0 =	simm.s32 @p0 $0x1  }
0x13: {  	[smem:$0x3FB8] =	sst s0;
	s0 =	simm.s32 @!p1 $0x0  }
0x14: {  	s2 =	sld [smem:$0x3F9C];
	s0 =	simm.s32 @p1 $0x1  }
0x15: {  	[smem:$0x3FB9] =	sst s0;
	s0 =	simm.s32 @!p2 $0x0  }
0x16: {  	s3 =	sld [smem:$0x3FDB];
	s0 =	simm.s32 @p2 $0x1  }
0x17: {  	s4 =	simm.s32 $0x1BF5;
	[smem:$0x3FBB] =	sst s0  }
0x18: {  	s0 =	sld [smem:$0x3F9E];
	_ =	swait.ge [sflag:s4], $0x0  }
0x19: {  	s7 =	sld [smem:$0x3F9F]  }
0x1a: {  	s8 =	sadd.s32 $0xFFFFE003, lr  }
0x1b: {  	s9 =	sadd.s32 $0xFFFFFEF7, lr;
	s5 =	simm.s32 $0xFFFFFFFF;
	p2 =	slt.u32 s8, $0xFFFFF086  }
0x1c: {  	p1 =	slt.u32 s9, $0xF7A;
	s5 =	simm.s32 @!p2 $0x0  }
0x1d: {  	s5 =	simm.s32 @p1 $0x1;
	p0 =	seq.s32 s7, s2  }
0x1e: {  	s7 =	smul.u32 @!p0 $0xF7A, s2;
	p2 =	seq.s32 @!p0 s5, $0x0  }
0x1f: {  	s9 =	smul.u32 $0xF7A, s1;
	s8 =	simm.s32 @!p0 $0x1BF5;
	p2 =	por !p2, p0  }
0x20: {  	[sflag:s8] =	ssyncset.s32 @!p0 $0xFFFFF086;
	s6 =	sadd.s32 @!p0 s3, s7;
	s7 =	simm.s32 @!p0 $0x108  }
0x21: {  	s3 =	sadd.s32 s3, s9;
	s6 =	sadd.s32 @!p0 $0x88, s6;
	s7 =	simm.s32 @p2 $0x1082  }
0x22: {  	[simem:s7], [sflag:s8] =	dma.local @!p0 [hbm:s6], $0xF7A  }
0x23: {  	s9 =	sor.u32 $0xD0000000, s2;
	s6 =	simm.s32 $0x108;
	_ =	swait.ge @!p0 [sflag:s8], $0x0  }
0x24: {  	s3 =	sadd.s32 $0x88, s3;
	s6 =	simm.s32 @!p1 $0x1082;
	[sflag:s4] =	ssyncset.s32 $0xFFFFF086  }
0x25: {  	[simem:s6], [sflag:s4] =	dma.local [hbm:s3], $0xF7A  }
0x26: {  	[smem:$0x3F9F] =	sst s1;
	(tag) =	ssettag s2;
	_ =	strace s9  }
0x27: {  	s1 =	sld [smem:$0x3FAF]  }
0x28: {  	s2 =	sld [smem:$0x3FB0]  }
0x29: {  	s4 =	sld [smem:$0x3FB2]  }
0x2a: {  	p0 =	seq.s32 s5, $0x0;
	s5 =	sld [smem:$0x3FB3]  }
0x2b: {  	s6 =	sld [smem:$0x3FB4]  }
0x2c: {  	s7 =	sld [smem:$0x3FB5]  }
0x2d: {  	s3 =	simm.s32 $0x108;
	s8 =	sld [smem:$0x3FB6]  }
0x2e: {  	s3 =	simm.s32 @!p0 $0x1082;
	s9 =	sld [smem:$0x3FB7]  }
0x2f: {  	lr =	sadd.s32 s0, s3;
	s0 =	sld [smem:$0x3FAE]  }
0x30: {  	s3 =	sld [smem:$0x3FB1]  }
0x31: {  	[smem:$0x3FBA] =	sst s10  }
0x32: {  	s10 =	sld [smem:$0x3FB8];
	_ =	sdelay $0x3  }
0x33: {  	p0 =	seq.s32 s10, $0x1;
	s10 =	sld [smem:$0x3FBA];
	_ =	sdelay $0x3  }
0x34: {  	[smem:$0x3FBA] =	sst s10  }
0x35: {  	s10 =	sld [smem:$0x3FB9];
	_ =	sdelay $0x3  }
0x36: {  	p1 =	seq.s32 s10, $0x1;
	s10 =	sld [smem:$0x3FBA];
	_ =	sdelay $0x3  }
0x37: {  	[smem:$0x3FBA] =	sst s10  }
0x38: {  	s10 =	sld [smem:$0x3FBB]  }
0x39: {  	_ = 	snop;
	(pc) =	sbr.ind lr, $3  }
0x3a: {  	_ = 	snop  }
0x3b: {  	_ = 	snop  }
0x3c: {  	p2 =	seq.s32 s10, $0x1;
	s10 =	sld [smem:$0x3FBA]  }
0x3d: {  	_ =	shalt  }
0x3e: {  	_ =	shalt  }
0x3f: {  	_ =	shalt  }
0x40: {  	_ =	shalt  }
0x41: {  	_ =	shalt  }
0x42: {  	_ =	shalt  }
0x43: {  	_ =	shalt  }
0x44: {  	_ =	shalt  }
0x45: {  	_ =	shalt  }
0x46: {  	_ =	shalt  }
0x47: {  	_ =	shalt  }
0x48: {  	_ =	shalt  }
0x49: {  	_ =	shalt  }
0x4a: {  	_ =	shalt  }
0x4b: {  	_ =	shalt  }
0x4c: {  	_ =	shalt  }
0x4d: {  	_ =	shalt  }
0x4e: {  	_ =	shalt  }
0x4f: {  	_ =	shalt  }
0x50: {  	_ =	shalt  }
0x51: {  	_ =	shalt  }
0x52: {  	_ =	shalt  }
0x53: {  	_ =	shalt  }
0x54: {  	_ =	shalt  }
0x55: {  	_ =	shalt  }
0x56: {  	_ =	shalt  }
0x57: {  	_ =	shalt  }
0x58: {  	_ =	shalt  }
0x59: {  	_ =	shalt  }
0x5a: {  	_ =	shalt  }
0x5b: {  	_ =	shalt  }
0x5c: {  	_ =	shalt  }
0x5d: {  	_ =	shalt  }
0x5e: {  	_ =	shalt  }
0x5f: {  	_ =	shalt  }
0x60: {  	_ =	shalt  }
0x61: {  	_ =	shalt  }
0x62: {  	_ =	shalt  }
0x63: {  	_ =	shalt  }
0x64: {  	_ =	shalt  }
0x65: {  	_ =	shalt  }
0x66: {  	_ =	shalt  }
0x67: {  	_ =	shalt  }
0x68: {  	_ =	shalt  }
0x69: {  	_ =	shalt  }
0x6a: {  	_ =	shalt  }
0x6b: {  	_ =	shalt  }
0x6c: {  	_ =	shalt  }
0x6d: {  	_ =	shalt  }
0x6e: {  	_ =	shalt  }
0x6f: {  	_ =	shalt  }
0x70: {  	_ =	shalt  }
0x71: {  	_ =	shalt  }
0x72: {  	_ =	shalt  }
0x73: {  	_ =	shalt  }
0x74: {  	_ =	shalt  }
0x75: {  	_ =	shalt  }
0x76: {  	_ =	shalt  }
0x77: {  	_ =	shalt  }
0x78: {  	_ =	shalt  }
0x79: {  	_ =	shalt  }
0x7a: {  	_ =	shalt  }
0x7b: {  	_ =	shalt  }
0x7c: {  	_ =	shalt  }
0x7d: {  	_ =	shalt  }
0x7e: {  	_ =	shalt  }
0x7f: {  	_ =	shalt  }
0x80: {  	_ =	shalt  }
0x81: {  	_ =	shalt  }
0x82: {  	_ =	shalt  }
0x83: {  	_ =	shalt  }
0x84: {  	_ =	shalt  }
0x85: {  	_ =	shalt  }
0x86: {  	_ =	shalt  }
0x87: {  	_ =	shalt  }
.Lfunc_end0:
.L_simem_size_0:
called_computation.1_lowered:
.L_overlay_start_0:
0x88: {  	s2 =	sld [smem:$0x3FD9]  }
0x89: {  	s3 =	sld [smem:$0x3FFE];
	_ =	sdelay $0x1  }
0x8a: {  	s1 =	srdreg.scid  }
0x8b: {  	s0 =	sand.u32 $0x1, s1  }
0x8c: {  	s17 =	sshll.u32 s0, $0xA;
	s2 =	sadd.s32 s3, s2  }
0x8d: {  	s2 =	sadd.s32 s2, s17  }
0x8e: {  	[smem:$0x3FC6] =	sst s2  }
0x8f: {  	_ = 	snop  }
0x90: {  	s2 =	sld [smem:$0x3FD0];
	(tm) =	ssettm $0x1  }
0x91: {  	s18 =	sld [smem:$0x3FFB];
	_ =	sdelay $0x3  }
0x92: {  	_ =	strace s18  }
0x93: {  	s3 =	sld [smem:$0x3FFC];
	_ =	sdelay $0x3  }
0x94: {  	_ =	strace s3  }
0x95: {  	s3 =	sld [smem:$0x3FFD];
	_ =	sdelay $0x3  }
0x96: {  	_ =	strace s3  }
0x97: {  	_ =	strace $0x8FFFFFFF  }
0x98: {  	s19 =	sld [smem:$0x3FDB];
	_ =	sdelay $0x1  }
0x99: {  	s4 =	simm.s32 $_scs_section_size  }
0x9a: {  	s5 =	simm.s32 $_size__tile_overlayer_lowered;
	s6 =	simm.s32 $_tile_overlayer_lowered  }
0x9b: {  	s22 =	simm.s32 $0x1BFF;
	s21 =	sshll.u32 s6, $0x1;
	s3 =	sadd.s32 s4, s19  }
0x9c: {  	s7 =	simm.s32 $0x0;
	s20 =	sshll.u32 s5, $0x1;
	s5 =	sadd.s32 s21, s3  }
0x9d: {  	[timem:s7], [sflag:s22] =	dma.local [hbm:s5], s20  }
0x9e: {  	_ =	swait.ge [sflag:s22], s20  }
0x9f: {  	s4 =	ssub.s32 $0x0, s20;
	[sflag:s22] =	ssyncset.done $0x0  }
0xa0: {  	[sflag:s22] =	ssyncadd.s32 s4;
	_ =	sdelay $0x1  }
0xa1: {  	s23 =	simm.s32 $0x1B8B  }
0xa2: {  	_ =	swait.ge [sflag:s23], $0x1  }
0xa3: {  	[sflag:s23] =	ssyncset.done $0x0  }
0xa4: {  	s25 =	simm.s32 $0x1B8E;
	s24 =	sld [smem:$0x3FFE];
	[sflag:s23] =	ssyncadd.s32 $0xFFFFFFFF  }
0xa5: {  	s26 =	simm.s32 $execute0_lowered;
	[smem:$0x3FD2] =	sst s25  }
0xa6: {  	s5 =	sshll.u32 s26, $0x1;
	_ =	strace $0x80000049;
	[dreg:$0x1] =	wrdreg $0xFFFFFFFF  }
0xa7: {  	s28 =	simm.s32 $_size_execute0_lowered;
	s3 =	sadd.s32 s3, s5;
	[dreg:$0x0] =	wrdreg $0x0  }
0xa8: {  	s5 =	sshll.u32 s28, $0x1;
	[dreg:$0x2] =	wrdreg s3  }
0xa9: {  	[dreg:$0x3] =	wrdreg s5  }
0xaa: {  	[dreg:$0x4] =	wrdreg $0xC0  }
0xab: {  	_ =	task [dreg:s7], $0x5FFFF  }
0xac: {  	[dreg:$0x1] =	wrdreg $0xFFFFFFFF  }
0xad: {  	[dreg:$0x0] =	wrdreg $0x60  }
0xae: {  	[dreg:$0x2] =	wrdreg s24  }
0xaf: {  	[dreg:$0x3] =	wrdreg s2  }
0xb0: {  	[dreg:$0x4] =	wrdreg $0xB5000  }
0xb1: {  	[dreg:$0x5] =	wrdreg $0x9  }
0xb2: {  	_ =	task.clear_ibuf [dreg:s7], $0x6FFFF;
	_ =	strace $0x90000049  }
0xb3: {  	s29 =	simm.s32 $0x9;
	_ =	strace $0x8000004B  }
0xb4: {  	_ =	swait.ge [sflag:s29], $0x1  }
0xb5: {  	[sflag:s29] =	ssyncadd.s32 $0xFFFFFFFF  }
0xb6: {  	_ =	strace $0x9000004B  }
0xb7: {  	_ =	sfence  }
0xb8: {  	s30 =	sld [smem:$0x0];
	_ =	sdelay $0x2  }
0xb9: {  	s31 =	sshll.u32 s1, $0xD;
	s1 =	sshrl.u32 s1, $0x2  }
0xba: {  	s3 =	sand.u32 $0x4000, s31;
	s1 =	sadd.s32 s1, s30  }
0xbb: {  	s0 =	sor.u32 s3, s0;
	s1 =	sshll.u32 s1, $0x11  }
0xbc: {  	s0 =	sor.u32 s1, s0  }
0xbd: {  	s0 =	sadd.s32 $0x8F2B, s0  }
0xbe: {  	[sflag:s0] =	ssyncadd.remote.s32 $0x1  }
0xbf: {  	_ =	sfence.sel $0xFFFF  }
0xc0: {  	[dreg:$0x0] =	wrdreg $0xFFFFFFFF;
	(pc) =	sbr.abs _section_cstart, $3  }
0xc1: {  	[dreg:$0x1] =	wrdreg $0xFFFFFFFF  }
0xc2: {  	_ =	task.clear_ibuf [dreg:s7], $0x2FFFF;
	_ =	strace $0x9FFFFFFF  }
0xc3: {  	(tm) =	ssettm $0x7FFFFFFF  }
tec
execute0_lowered:
.L_overlay_start_1:
0x0: {  	(tag) =	ssettag $0x1  }
0x1: {  	s0 =	rddreg [dreg:$0x0]  }
0x2: {  	s2 =	rddreg [dreg:$0x1];
	s1 =	srdreg.scid  }
0x3: {  	s8 =	stileid.u32;
	s3 =	rddreg [dreg:$0x2]  }
0x4: {  	s5 =	simm.s32 $0x0;
	s29 =	simm.s32 $0x3D00;
	s30 =	simm.s32 $0x50  }
0x5: {  	s31 =	simm.s32 $0x6500;
	s28 =	simm.s32 $0x2;
	s6 =	smul.u32 $0x14000, s8  }
0x6: {  	s1 =	sand.u32 $0x1, s1;
	s4 =	sshll.u32 s8, $0x1;
	s8 =	smul.u32 $0x50000, s8  }
0x7: {  	[smem:$0x7FF] =	sst s5;
	s4 =	sor.u32 s1, s4;
	s20 =	smul.u32 $0x140000, s1  }
0x8: {  	_ =	strace $0x8000004A;
	s1 =	ssub.s32 $0x2, s1;
	s4 =	smul.u32 $0x2710, s4  }
0x9: {  	s7 =	sshrl.u32 s1, $0x1;
	s25 =	sshrl.u32 s8, $0x2;
	s26 =	sadd.s32 $0x4000, s6  }
0xa: {  	s18 =	sadd.s32 $0x8000, s6;
	s19 =	sadd.s32 $0xC000, s6;
	s8 =	simm.s32 $0x3  }
0xb: {  	s1 =	ssub.s32 s1, s7;
	s21 =	sadd.s32 s20, s6;
	s10 =	sadd.s32 s25, s3  }
0xc: {  	s13 =	sadd.s32 s20, s26;
	s6 =	sadd.s32 $0x10000, s6;
	s11 =	sadd.s32 s20, s19  }
0xd: {  	s25 =	sadd.s32 s19, s3;
	s4 =	sshrl.u32 s4, $0x3;
	s1 =	smax.u32 s1, $0x1  }
0xe: {  	s23 =	sshrl.u32 s21, $0x3;
	s12 =	sadd.s32 $0x5000, s10;
	[dreg:$0x7] =	wrdreg s1  }
0xf: {  	s14 =	sadd.s32 $0x7800, s10;
	s15 =	sadd.s32 $0xA000, s10;
	[dreg:$0x9] =	wrdreg s12  }
0x10: {  	s16 =	sadd.s32 $0xC800, s10;
	s17 =	sadd.s32 $0xF000, s10;
	[dreg:$0xa] =	wrdreg s14  }
0x11: {  	s21 =	sadd.s32 s20, s18;
	s5 =	sadd.s32 s20, s6;
	[dreg:$0xb] =	wrdreg s15  }
0x12: {  	s11 =	sshrl.u32 s11, $0x3;
	s4 =	sadd.s32 s4, s0;
	[dreg:$0xc] =	wrdreg s16  }
0x13: {  	s0 =	sadd.s32 $0x15800, s0;
	[dreg:$0xd] =	wrdreg s17;
	s5 =	sshrl.u32 s5, $0x3  }
0x14: {  	s1 =	simm.s32 $0x1;
	s12 =	simm.s32 $0x0;
	s9 =	sadd.s32 $0xB000, s4  }
0x15: {  	s22 =	sadd.s32 $0x1200, s4;
	s7 =	sadd.s32 $0x1476, s4;
	s24 =	sadd.s32 s0, s23  }
0x16: {  	s4 =	sadd.s32 $0x2800, s10;
	s20 =	sadd.s32 s0, s5;
	[dreg:$0x4] =	wrdreg s9  }
0x17: {  	s23 =	sadd.s32 s26, s3;
	s26 =	sadd.s32 s6, s3;
	[dreg:$0x5] =	wrdreg s22  }
0x18: {  	s5 =	simm.s32 $0x4;
	s6 =	simm.s32 $0x5;
	[dreg:$0x6] =	wrdreg s24  }
0x19: {  	[dreg:$0x8] =	wrdreg s4;
	s4 =	sshrl.u32 s13, $0x3;
	s9 =	sshrl.u32 s21, $0x3  }
0x1a: {  	s22 =	sadd.s32 s0, s11;
	s21 =	sadd.s32 $0x11800, s10;
	s24 =	sadd.s32 s18, s3  }
.Ltmp0:
0x1b: {  	s11 =	simm.s32 $0x8D00;
	s4 =	sadd.s32 s0, s4;
	(pc) =	sbr.rel .LBB2_1-.Ltmp0, $4  }
0x1c: {  	s9 =	sadd.s32 s0, s9;
	[dreg:$0x10] =	wrdreg s22;
	s22 =	sshrl.u32 s23, $0x3  }
0x1d: {  	s23 =	sshrl.u32 s24, $0x3;
	s24 =	sshrl.u32 s25, $0x3;
	s25 =	sshrl.u32 s26, $0x3  }
0x1e: {  	s26 =	simm.s32 $0x7;
	s0 =	simm.s32 $0x3B80;
	[dreg:$0xe] =	wrdreg s4  }
0x1f: {  	v0 =	vimm.f32 $0.0e+00;
	[dreg:$0xf] =	wrdreg s9;
	s4 =	simm.s32 $0x3C00;
	s9 =	simm.s32 $0x3C80  }
.LBB2_6:
0x20: {  	_ =	swait.ge [sflag:s6], $0x2800  }
0x21: {  	[sflag:s6] =	ssyncset.done $0x0  }
0x22: {  	s13 =	stileid.u32;
	[sflag:s6] =	ssyncadd.s32 $0xFFFFD800  }
0x23: {  	s13 =	sshll.u32 s13, $0x6;
	[bflag:$0x0] =	sbarrier.arrive $0xFFFF  }
0x24: {  	s14 =	sshrl.u32 s10, $0x3;
	s13 =	sor.u32 $0x1C07, s13;
	s15 =	rddreg [dreg:$0x6]  }
0x25: {  	[hbm:s15], [sflag:s13] =	dma.local [spmem:s14], $0x800  }
0x26: {  	_ =	swait.ge [sflag:s26], $0x800  }
0x27: {  	[sflag:s26] =	ssyncset.done $0x0  }
0x28: {  	s16 =	rddreg [dreg:$0xe];
	[sflag:s26] =	ssyncadd.s32 $0xFFFFF800  }
0x29: {  	[hbm:s16], [sflag:s13] =	dma.local [spmem:s22], $0x800  }
0x2a: {  	_ =	swait.ge [sflag:s26], $0x800  }
0x2b: {  	[sflag:s26] =	ssyncset.done $0x0  }
0x2c: {  	s17 =	rddreg [dreg:$0xf];
	[sflag:s26] =	ssyncadd.s32 $0xFFFFF800  }
0x2d: {  	[hbm:s17], [sflag:s13] =	dma.local [spmem:s23], $0x800  }
0x2e: {  	_ =	swait.ge [sflag:s26], $0x800  }
0x2f: {  	[sflag:s26] =	ssyncset.done $0x0  }
0x30: {  	s18 =	rddreg [dreg:$0x10];
	[sflag:s26] =	ssyncadd.s32 $0xFFFFF800  }
0x31: {  	[hbm:s18], [sflag:s13] =	dma.local [spmem:s24], $0x800  }
0x32: {  	_ =	swait.ge [sflag:s26], $0x800  }
0x33: {  	[sflag:s26] =	ssyncset.done $0x0  }
0x34: {  	[sflag:s26] =	ssyncadd.s32 $0xFFFFF800  }
0x35: {  	[hbm:s20], [sflag:s13] =	dma.local [spmem:s25], $0x800  }
0x36: {  	_ =	swait.ge [sflag:s26], $0x800  }
0x37: {  	s12 =	sadd.s32 $0x1, s12;
	s19 =	rddreg [dreg:$0x7]  }
0x38: {  	p0 =	sne.s32 s12, s19  }
.Ltmp1:
0x39: {  	_ = 	snop;
	(pc) =	sbr.rel @!p0 .LBB2_7-.Ltmp1, $3  }
0x3a: {  	_ =	sdelay $0x1  }
0x3b: {  	[sflag:s26] =	ssyncset.done $0x0  }
0x3c: {  	[sflag:s26] =	ssyncadd.s32 $0xFFFFF800  }
.LBB2_1:
0x3d: {  	s13 =	simm.s32 $0x0;
	s14 =	rddreg [dreg:$0x4]  }
0x3e: {  	[tilespmem:s13], [sflag:$0x7] =	stream.linear.gather [hbm4b:s14+s13], $0x2710, $0x38;
	[tilespmem:$0x1F500] =	vst v63  }
0x3f: {  	_ =	swait.ge [sflag:s26], $0x2710  }
0x40: {  	[sflag:s26] =	ssyncset.done $0x0  }
0x41: {  	s15 =	simm.s32 $0x2780;
	s19 =	rddreg [dreg:$0x5];
	[sflag:s26] =	ssyncadd.s32 $0xFFFFD8F0  }
0x42: {  	[tilespmem:s15], [sflag:$0x7] =	stream.linear.gather [hbm4b:s19+s13], $0x13B0, $0x38;
	[tilespmem:$0x1F500] =	vst v63  }
0x43: {  	_ =	swait.ge [sflag:s26], $0x13B0  }
0x44: {  	[sflag:s26] =	ssyncset.done $0x0  }
0x45: {  	s14 =	simm.s32 $0x3C0;
	s13 =	simm.s32 $0x70;
	[sflag:s26] =	ssyncadd.s32 $0xFFFFEC50  }
.LBB2_2:
0x46: {  	p0 =	sne.s32 s14, $0x9FC0;
	[tilespmem:s13+$0x3D00] =	vst v0  }
0x47: {  	[tilespmem:s13+$0x3C90] =	vst v0  }
0x48: {  	[tilespmem:s13+$0x3CA0] =	vst v0  }
.Ltmp2:
0x49: {  	[tilespmem:s13+$0x3CB0] =	vst v0;
	(pc) =	sbr.rel @p0 .LBB2_2-.Ltmp2, $4  }
0x4a: {  	[tilespmem:s13+$0x3CC0] =	vst v0  }
0x4b: {  	[tilespmem:s13+$0x3CD0] =	vst v0  }
0x4c: {  	[tilespmem:s13+$0x3CE0] =	vst v0  }
0x4d: {  	[tilespmem:s13+$0x3CF0] =	vst v0;
	s13 =	sshra.s32 s14, $0x2;
	s14 =	sadd.s32 $0x200, s14  }
0x4e: {  	[tilespmem:s13+$0x3D00] =	vst v0  }
0x4f: {  	[tilespmem:s13+$0x3C90] =	vst v0  }
0x50: {  	[tilespmem:s13+$0x3CA0] =	vst v0  }
0x51: {  	[tilespmem:s13+$0x3CB0] =	vst v0  }
0x52: {  	[tilespmem:s13+$0x3CC0] =	vst v0  }
0x53: {  	[tilespmem:s13+$0x3CD0] =	vst v0  }
0x54: {  	[tilespmem:s13+$0x3CE0] =	vst v0  }
0x55: {  	[tilespmem:s13+$0x3CF0] =	vst v0  }
0x56: {  	[spmem:s10] =	stream.linear.scatter [tilespmem:s29], [sflag:$0x7], $0x2800, $0x38;
	[tilespmem:$0x1F500] =	vst v63  }
0x57: {  	_ =	swait.ge [sflag:s26], $0x2800  }
0x58: {  	[sflag:s26] =	ssyncset.done $0x0  }
0x59: {  	s14 =	rddreg [dreg:$0x8];
	[sflag:s26] =	ssyncadd.s32 $0xFFFFD800  }
0x5a: {  	[spmem:s14] =	stream.linear.scatter [tilespmem:s29], [sflag:$0x7], $0x2800, $0x38;
	[tilespmem:$0x1F500] =	vst v63  }
0x5b: {  	_ =	swait.ge [sflag:s26], $0x2800  }
0x5c: {  	[sflag:s26] =	ssyncset.done $0x0  }
0x5d: {  	s15 =	rddreg [dreg:$0x9];
	[sflag:s26] =	ssyncadd.s32 $0xFFFFD800  }
0x5e: {  	[spmem:s15] =	stream.linear.scatter [tilespmem:s29], [sflag:$0x7], $0x2800, $0x38;
	[tilespmem:$0x1F500] =	vst v63  }
0x5f: {  	_ =	swait.ge [sflag:s26], $0x2800  }
0x60: {  	[sflag:s26] =	ssyncset.done $0x0  }
0x61: {  	s16 =	rddreg [dreg:$0xa];
	[sflag:s26] =	ssyncadd.s32 $0xFFFFD800  }
0x62: {  	[spmem:s16] =	stream.linear.scatter [tilespmem:s29], [sflag:$0x7], $0x2800, $0x38;
	[tilespmem:$0x1F500] =	vst v63  }
0x63: {  	_ =	swait.ge [sflag:s26], $0x2800  }
0x64: {  	[sflag:s26] =	ssyncset.done $0x0  }
0x65: {  	s17 =	rddreg [dreg:$0xb];
	[sflag:s26] =	ssyncadd.s32 $0xFFFFD800  }
0x66: {  	[spmem:s17] =	stream.linear.scatter [tilespmem:s29], [sflag:$0x7], $0x2800, $0x38;
	[tilespmem:$0x1F500] =	vst v63  }
0x67: {  	_ =	swait.ge [sflag:s26], $0x2800  }
0x68: {  	[sflag:s26] =	ssyncset.done $0x0  }
0x69: {  	s18 =	rddreg [dreg:$0xc];
	[sflag:s26] =	ssyncadd.s32 $0xFFFFD800  }
0x6a: {  	[spmem:s18] =	stream.linear.scatter [tilespmem:s29], [sflag:$0x7], $0x2800, $0x38;
	[tilespmem:$0x1F500] =	vst v63  }
0x6b: {  	_ =	swait.ge [sflag:s26], $0x2800  }
0x6c: {  	[sflag:s26] =	ssyncset.done $0x0  }
0x6d: {  	s19 =	rddreg [dreg:$0xd];
	[sflag:s26] =	ssyncadd.s32 $0xFFFFD800  }
0x6e: {  	[spmem:s19] =	stream.linear.scatter [tilespmem:s29], [sflag:$0x7], $0x2800, $0x38;
	[tilespmem:$0x1F500] =	vst v63  }
0x6f: {  	_ =	swait.ge [sflag:s26], $0x2800  }
0x70: {  	[sflag:s26] =	ssyncset.done $0x0  }
0x71: {  	[sflag:s26] =	ssyncadd.s32 $0xFFFFD800  }
0x72: {  	[spmem:s21] =	stream.linear.scatter [tilespmem:s29], [sflag:$0x7], $0x2800, $0x38;
	[tilespmem:$0x1F500] =	vst v63  }
0x73: {  	_ =	swait.ge [sflag:s26], $0x2800  }
0x74: {  	[sflag:s26] =	ssyncset.done $0x0  }
0x75: {  	[sflag:s26] =	ssyncadd.s32 $0xFFFFD800  }
0x76: {  	s13 =	simm.s32 $0x0;
	[bflag:$0x0] =	sbarrier.arrive $0xFFFF  }
0x77: {  	[tilespmem:s29], [sflag:$0x1] =	stream.indirect.gather [hbm4b:s2+s30], $0x80, s13, s30, $0xb8;
	[tilespmem:$0x1F500] =	vst v63  }
0x78: {  	s14 =	simm.s32 $0x140;
	s15 =	simm.s32 $0x0  }
0x79: {  	[tilespmem:s31], [sflag:$0x2] =	stream.indirect.gather [hbm4b:s2+s30], $0x80, s30, s30, $0xb8;
	[tilespmem:$0x1F500] =	vst v63  }
.LBB2_4:
0x7a: {  	p1 =	sne.s32 s13, $0x3F  }
0x7b: {  	s16 =	simm.s32 @!p1 $0x0;
	s17 =	simm.s32 @!p1 $0x2780  }
0x7c: {  	[tilespmem:s17], [sflag:$0x7] =	stream.linear.gather @!p1 [hbm4b:s7+s16], $0x1360, $0x38;
	[tilespmem:$0x1F500] =	vst v63  }
0x7d: {  	s16 =	simm.s32 @!p1 $0x7  }
0x7e: {  	_ =	swait.ge @!p1 [sflag:s16], $0x1360  }
0x7f: {  	p0 =	slt.u32 s15, $0x15;
	s17 =	sadd.s32 $0xFFFFFFC1, s13;
	[sflag:s16] =	ssyncset.done @!p1 $0x0  }
0x80: {  	s17 =	smov.u32 @p0 s13;
	[sflag:s16] =	ssyncadd.s32 @!p1 $0xFFFFECA0  }
0x81: {  	s19 =	smul.u32 $0x140, s17;
	_ =	swait.ge [sflag:s1], $0x2800  }
0x82: {  	[sflag:s1] =	ssyncset.done $0x0  }
0x83: {  	s16 =	sshra.s32 s19, $0x2;
	[sflag:s1] =	ssyncadd.s32 $0xFFFFD800  }
0x84: {  	v1 =	vld [tilespmem:s16+$0x2780];
	_ =	sdelay $0x4  }
0x85: {  	[tilespmem:$0x3B80] =	vst v1  }
0x86: {  	v1 =	vld [tilespmem:s16+$0x2790];
	_ =	sdelay $0x4  }
0x87: {  	[tilespmem:$0x3B90] =	vst v1  }
0x88: {  	v1 =	vld [tilespmem:s16+$0x27A0];
	_ =	sdelay $0x4  }
0x89: {  	[tilespmem:$0x3BA0] =	vst v1  }
0x8a: {  	v1 =	vld [tilespmem:s16+$0x27B0];
	_ =	sdelay $0x4  }
0x8b: {  	[tilespmem:$0x3BB0] =	vst v1  }
0x8c: {  	v1 =	vld [tilespmem:s16+$0x27C0];
	_ =	sdelay $0x2  }
0x8d: {  	p1 =	sne.s32 s13, $0x0  }
0x8e: {  	p2 =	seq.s32 @p1 s13, $0x7B  }
0x8f: {  	p3 =	por p2, !p1;
	s16 =	simm.s32 @p1 $0x6;
	[tilespmem:$0x3BC0] =	vst v1  }
0x90: {  	[spmem:s3] =	stream.indirect.scatter.add.f32 [tilespmem:s29], [sflag:$0x4], $0x80, s0, s30, $0xb8;
	[tilespmem:$0x1F500] =	vst v63  }
0x91: {  	s17 =	simm.s32 @!p3 $0x50;
	p4 =	sne.s32 @!p3 s13, $0x3E;
	_ =	swait.ge @p1 [sflag:s16], $0x2800  }
0x92: {  	s18 =	simm.s32 @!p3 $0x8D00;
	p5 =	por @p1 p4, p2;
	[sflag:s16] =	ssyncset.done @p1 $0x0  }
0x93: {  	p5 =	por p5, !p1;
	[sflag:s16] =	ssyncadd.s32 @p1 $0xFFFFD800;
	s16 =	sadd.s32 @!p3 $0xFFFFFF60, s14  }
0x94: {  	[tilespmem:s18], [sflag:$0x3] =	stream.indirect.gather @!p3 [hbm4b:s2+s17], $0x80, s16, s17, $0xb8;
	[tilespmem:$0x1F500] =	vst v63  }
0x95: {  	s19 =	simm.s32 @!p1 $0x8D00;
	s16 =	simm.s32 @!p5 $0x0;
	s17 =	simm.s32 @!p5 $0x2780  }
0x96: {  	[tilespmem:s17], [sflag:$0x7] =	stream.linear.gather @!p5 [hbm4b:s7+s16], $0x1360, $0x38;
	[tilespmem:$0x1F500] =	vst v63  }
0x97: {  	p4 =	por @p1 !p4, p2;
	p2 =	por !p2, !p1;
	s16 =	simm.s32 @!p5 $0x7  }
0x98: {  	s17 =	sadd.s32 @!p3 $0x1, s13;
	p3 =	por !p4, !p1;
	_ =	swait.ge @!p5 [sflag:s16], $0x1360  }
0x99: {  	s18 =	simm.s32 @!p1 $0xA0;
	s17 =	simm.s32 @!p3 $0x3F;
	[sflag:s16] =	ssyncset.done @!p5 $0x0  }
0x9a: {  	s17 =	simm.s32 @!p2 $0x7C;
	[sflag:s16] =	ssyncadd.s32 @!p5 $0xFFFFECA0;
	s16 =	simm.s32 @!p1 $0x50  }
0x9b: {  	[tilespmem:s19], [sflag:$0x3] =	stream.indirect.gather @!p1 [hbm4b:s2+s16], $0x80, s18, s16, $0xb8;
	[tilespmem:$0x1F500] =	vst v63  }
0x9c: {  	s17 =	simm.s32 @!p1 $0x1;
	s16 =	sadd.s32 $0xFFFFFFC2, s13  }
0x9d: {  	s16 =	smov.u32 @p0 s17  }
0x9e: {  	_ =	swait.ge [sflag:s28], $0x2800;
	s16 =	smul.u32 $0x140, s16  }
0x9f: {  	[sflag:s28] =	ssyncset.done $0x0  }
0xa0: {  	[sflag:s28] =	ssyncadd.s32 $0xFFFFD800;
	s16 =	sshra.s32 s16, $0x2  }
0xa1: {  	v1 =	vld [tilespmem:s16+$0x2780];
	_ =	sdelay $0x4  }
0xa2: {  	[tilespmem:$0x3C00] =	vst v1  }
0xa3: {  	v1 =	vld [tilespmem:s16+$0x2790];
	_ =	sdelay $0x4  }
0xa4: {  	[tilespmem:$0x3C10] =	vst v1  }
0xa5: {  	v1 =	vld [tilespmem:s16+$0x27A0];
	_ =	sdelay $0x4  }
0xa6: {  	[tilespmem:$0x3C20] =	vst v1  }
0xa7: {  	v1 =	vld [tilespmem:s16+$0x27B0];
	_ =	sdelay $0x4  }
0xa8: {  	[tilespmem:$0x3C30] =	vst v1  }
0xa9: {  	v1 =	vld [tilespmem:s16+$0x27C0];
	_ =	sdelay $0x3  }
0xaa: {  	p1 =	seq.s32 s13, $0x7B  }
.Ltmp3:
0xab: {  	[tilespmem:$0x3C40] =	vst v1;
	(pc) =	sbr.rel @p1 .LBB2_6-.Ltmp3, $4  }
0xac: {  	[spmem:s3] =	stream.indirect.scatter.add.f32 [tilespmem:s31], [sflag:$0x5], $0x80, s4, s30, $0xb8;
	[tilespmem:$0x1F500] =	vst v63  }
0xad: {  	_ =	swait.ge [sflag:s5], $0x2800  }
0xae: {  	[sflag:s5] =	ssyncset.done $0x0  }
0xaf: {  	[sflag:s5] =	ssyncadd.s32 $0xFFFFD800  }
0xb0: {  	s16 =	sadd.s32 $0xFFFFFFB0, s14;
	p1 =	sne.s32 s13, $0x3D  }
0xb1: {  	[tilespmem:s29], [sflag:$0x1] =	stream.indirect.gather [hbm4b:s2+s30], $0x80, s16, s30, $0xb8;
	[tilespmem:$0x1F500] =	vst v63  }
0xb2: {  	s16 =	simm.s32 @!p1 $0x0;
	s17 =	simm.s32 @!p1 $0x2780  }
0xb3: {  	[tilespmem:s17], [sflag:$0x7] =	stream.linear.gather @!p1 [hbm4b:s7+s16], $0x1360, $0x38;
	[tilespmem:$0x1F500] =	vst v63  }
0xb4: {  	s16 =	simm.s32 @!p1 $0x7  }
0xb5: {  	_ =	swait.ge @!p1 [sflag:s16], $0x1360  }
0xb6: {  	s18 =	sadd.s32 $0xFFFFFFC3, s13;
	s17 =	sadd.s32 $0x2, s13;
	[sflag:s16] =	ssyncset.done @!p1 $0x0  }
0xb7: {  	s18 =	smov.u32 @p0 s17;
	[sflag:s16] =	ssyncadd.s32 @!p1 $0xFFFFECA0  }
0xb8: {  	s19 =	smul.u32 $0x140, s18;
	_ =	swait.ge [sflag:s8], $0x2800  }
0xb9: {  	[sflag:s8] =	ssyncset.done $0x0  }
0xba: {  	s16 =	sshra.s32 s19, $0x2;
	[sflag:s8] =	ssyncadd.s32 $0xFFFFD800  }
0xbb: {  	v1 =	vld [tilespmem:s16+$0x2780];
	_ =	sdelay $0x4  }
0xbc: {  	[tilespmem:$0x3C80] =	vst v1  }
0xbd: {  	v1 =	vld [tilespmem:s16+$0x2790];
	_ =	sdelay $0x4  }
0xbe: {  	[tilespmem:$0x3C90] =	vst v1  }
0xbf: {  	v1 =	vld [tilespmem:s16+$0x27A0];
	_ =	sdelay $0x4  }
0xc0: {  	[tilespmem:$0x3CA0] =	vst v1  }
0xc1: {  	v1 =	vld [tilespmem:s16+$0x27B0];
	_ =	sdelay $0x4  }
0xc2: {  	[tilespmem:$0x3CB0] =	vst v1  }
0xc3: {  	v1 =	vld [tilespmem:s16+$0x27C0];
	_ =	sdelay $0x4  }
0xc4: {  	[tilespmem:$0x3CC0] =	vst v1  }
0xc5: {  	[spmem:s3] =	stream.indirect.scatter.add.f32 [tilespmem:s11], [sflag:$0x6], $0x80, s9, s30, $0xb8;
	[tilespmem:$0x1F500] =	vst v63  }
.Ltmp4:
0xc6: {  	_ =	swait.ge [sflag:s6], $0x2800;
	(pc) =	sbr.rel .LBB2_4-.Ltmp4, $4  }
0xc7: {  	[sflag:s6] =	ssyncset.done $0x0  }
0xc8: {  	[sflag:s6] =	ssyncadd.s32 $0xFFFFD800  }
0xc9: {  	[tilespmem:s31], [sflag:$0x2] =	stream.indirect.gather [hbm4b:s2+s30], $0x80, s14, s30, $0xb8;
	[tilespmem:$0x1F500] =	vst v63  }
0xca: {  	s15 =	sadd.s32 $0x1, s15;
	s13 =	sadd.s32 $0x3, s13;
	s14 =	sadd.s32 $0xF0, s14  }
.LBB2_7:
0xcb: {  	_ =	sfence.sel $0x180000  }
0xcc: {  	[bflag:$0x0] =	sbarrier.arrive $0xFFFF  }
0xcd: {  	_ =	strace $0x9000004A  }
0xce: {  	s0 =	stileid.u32;
	[bflag:$0x2] =	sbarrier.arrive $0xFFFF  }
0xcf: {  	p0 =	sne.s32 s0, $0x0;
	s0 =	rddreg [dreg:$0x3]  }
0xd0: {  	s0 =	sadd.s32 @!p0 $0x100000, s0  }
0xd1: {  	[sflag:s0] =	ssyncadd.tile.s32 @!p0 $0x1;
	_ =	shalt  }
.Lfunc_end2:
_tile_overlayer_lowered:
.L_overlay_start_2:
0xd2: {  	(tag) =	ssettag $0x2  }
0xd3: {  	s0 =	rddreg [dreg:$0x0];
	s2 =	stileid.u32  }
0xd4: {  	s1 =	rddreg [dreg:$0x1];
	p0 =	sne.s32 s2, $0x0  }
0xd5: {  	s3 =	rddreg [dreg:$0x2];
	[bflag:$0x3] =	sbarrier.arrive $0xFFFF;
	s2 =	simm.s32 @!p0 $0x1C07  }
0xd6: {  	[timem:s3], [sflag:s2] =	dma.local @!p0 [hbm:s0], s1  }
0xd7: {  	s0 =	simm.s32 @!p0 $0x7  }
0xd8: {  	_ =	swait.ge @!p0 [sflag:s0], s1  }
0xd9: {  	s1 =	ssub.s32 @!p0 $0x0, s1;
	[sflag:s0] =	ssyncset.done @!p0 $0x0  }
0xda: {  	[sflag:s0] =	ssyncadd.s32 @!p0 s1  }
0xdb: {  	[bflag:$0x3] =	sbarrier.arrive $0xFFFF  }
0xdc: {  	_ =	shalt  }

</sc_bundles>
